<compile_context>
chip_gen: v7x
topology: tpu7x:2x2x1
jax: 0.10.2.dev20260603
libtpu: 0.0.44.dev20260713+nightly
codegen_flags: <defaults>
</compile_context>

<pallas_src>
import jax
import jax.numpy as jnp
from jax import lax
from jax.experimental import pallas as pl
from jax.experimental.pallas import tpu as pltpu
from jax.experimental.pallas import tpu_sc as plsc

_V = 1_000_000
_D = 32
_C = 26
_B = 16384
_NS = 16
_BT = _B // _NS
_STRIDE = 1 << 20
_BR = 512
_VCH = _BR * 128
_NVB = _STRIDE // _VCH
_LANES = 16


def _pack_tc(w_t):
    def body(in_ref, out_ref):
        for p in range(4):
            a = in_ref[2 * p, :].reshape(_BR, 128)
            b = in_ref[2 * p + 1, :].reshape(_BR, 128)
            a16 = jax.lax.bitcast_convert_type(
                a.astype(jnp.bfloat16), jnp.uint16)
            b16 = jax.lax.bitcast_convert_type(
                b.astype(jnp.bfloat16), jnp.uint16)
            w = a16.astype(jnp.uint32) | (b16.astype(jnp.uint32) << 16)
            out_ref[p, :, :] = w.astype(jnp.int32)

    return pl.pallas_call(
        body,
        grid=(4, _NVB),
        in_specs=[pl.BlockSpec((8, _VCH), lambda pg, vb: (pg, vb))],
        out_specs=pl.BlockSpec((4, _BR, 128), lambda pg, vb: (pg, vb, 0)),
        out_shape=jax.ShapeDtypeStruct((16, _STRIDE // 128, 128), jnp.int32),
    )(w_t)


def _gather_sc(idx_t, wp_flat):
    mesh = plsc.VectorSubcoreMesh(core_axis_name="c", subcore_axis_name="s")

    @pl.kernel(
        mesh=mesh,
        out_type=jax.ShapeDtypeStruct((_C, 4, 128, 4, 128), jnp.int32),
        scratch_types=[
            pltpu.VMEM((_C, _BT), jnp.int32),
            pltpu.VMEM((_C, _BT), jnp.int32),
            pltpu.VMEM_SHARED((_STRIDE,), jnp.int32),
            pltpu.SemaphoreType.DMA,
            pltpu.SemaphoreType.DMA,
            pltpu.SemaphoreType.DMA,
        ],
        compiler_params=pltpu.CompilerParams(use_tc_tiling_on_sc=False),
    )
    def body(idx_hbm, wp_hbm, out_hbm, idx_v, gb, col_s, ssem, gsem, osem):
        core = lax.axis_index("c")
        s = lax.axis_index("s")

        pltpu.sync_copy(
            idx_hbm.at[pl.ds(0, _C), pl.ds(s * _BT, _BT)], idx_v
        )

        def drain_g():
            pltpu.make_async_copy(
                idx_hbm.at[pl.ds(0, _C), pl.ds(0, _BT)], gb, gsem
            ).wait()

        def drain_o():
            pltpu.make_async_copy(
                idx_hbm.at[pl.ds(0, _C), pl.ds(0, _BT)], gb, osem
            ).wait()

        for q in range(8):
            iq = q // 4
            srq = q % 4
            pr = core * 8 + q
            ig = core * 2 + iq

            sl = _STRIDE // _NS
            pltpu.async_copy(
                wp_hbm.at[pl.ds(pr * _STRIDE + s * sl, sl)],
                col_s.at[pl.ds(s * sl, sl)],
                ssem,
            )
            pltpu.make_async_copy(
                wp_hbm.at[pl.ds(0, sl)], col_s.at[pl.ds(0, sl)], ssem
            ).wait()
            plsc.subcore_barrier()

            if q >= 1:
                drain_o()

            def fire_c(c):
                def fire_g(jl):
                    pltpu.async_copy(
                        col_s.at[idx_v.at[c, pl.ds(jl * 128, 128)]],
                        gb.at[c, pl.ds(jl * 128, 128)],
                        gsem,
                    )

                pl.loop(0, 8)(fire_g)

            pl.loop(0, _C)(fire_c)
            drain_g()

            def out_fire(c):
                def one(jl):
                    pltpu.async_copy(
                        gb.at[c, pl.ds(jl * 128, 128)],
                        out_hbm.at[c, ig, 8 * s + jl, srq],
                        osem,
                    )

                pl.loop(0, 8)(one)

            pl.loop(0, _C)(out_fire)
            plsc.subcore_barrier()

        drain_o()

    return body(idx_t, wp_flat)


def kernel(indices, embedding_weight):
    idx_t = jnp.transpose(indices).astype(jnp.int32)
    w_t = jnp.transpose(embedding_weight)
    wp = _pack_tc(w_t)
    out5 = _gather_sc(idx_t, wp.reshape(16 * _STRIDE))
    t = out5.transpose(2, 4, 0, 1, 3).reshape(_B, _C, 16)
    out7 = jax.lax.bitcast_convert_type(t, jnp.bfloat16)
    return out7.reshape(_B, _C, _D)

# --- scband reference (transcript-rebuilt; emitter-appended) ---
"""Pipeline reference for scband-casted-embedding-2765958939043 (READ-ONLY COPY).

The authoritative reference and input builder live on the scoring server;
editing this copy changes nothing except your own understanding.
"""

import jax, jax.numpy as jnp
import numpy as np

NUM_EMBEDDINGS = 1000000
EMBEDDING_DIM = 32
INIT_STD = 0.02
CAST_TO = jnp.bfloat16


def setup_inputs(seed: int = 0) -> dict:
    key = jax.random.key(seed)
    k_idx, k_w = jax.random.split(key)
    indices = jax.random.randint(k_idx, (16384, 26), 0, NUM_EMBEDDINGS, dtype=jnp.int64 if jax.config.read('jax_enable_x64') else jnp.int32)
    # truncated normal init (trunc at +/-2 std, like torch trunc_normal_ default)
    embedding_weight = jax.random.truncated_normal(k_w, -2.0, 2.0, (NUM_EMBEDDINGS, EMBEDDING_DIM), dtype=jnp.float32) * INIT_STD
    return {"indices": indices, "embedding_weight": embedding_weight}


def reference(indices, embedding_weight):
    # Cast the weight to target dtype on every forward pass, then gather rows.
    w = embedding_weight.astype(CAST_TO)
    return jnp.take(w, indices, axis=0)

if __name__ == "__main__":
    import jax
    _d = setup_inputs()
    print(jax.jit(kernel)(*tuple(_d.values())))

</pallas_src>

<mosaic_0001>
#map = affine_map<(d0, d1) -> (0, 0)>
#map1 = affine_map<(d0, d1) -> (0)>
#map2 = affine_map<(d0, d1) -> (0, 0, 0, 0, 0)>
module attributes {stable_mosaic.version = 14 : i64} {
  func.func @body(%arg0: i32, %arg1: i32, %arg2: memref<26x16384xi32, #tpu.memory_space<hbm>>, %arg3: memref<16777216xi32, #tpu.memory_space<hbm>>, %arg4: memref<26x4x128x4x128xi32, #tpu.memory_space<hbm>>, %arg5: memref<26x1024xi32, #tpu.memory_space<vmem>>, %arg6: memref<26x1024xi32, #tpu.memory_space<vmem>>, %arg7: memref<1048576xi32, #tpu.memory_space<vmem_shared>>, %arg8: memref<!tpu.dma_semaphore, #tpu.memory_space<semaphore_mem>>, %arg9: memref<!tpu.dma_semaphore, #tpu.memory_space<semaphore_mem>>, %arg10: memref<!tpu.dma_semaphore, #tpu.memory_space<semaphore_mem>>) attributes {dimension_semantics = [#tpu.dimension_semantics<core_parallel>, #tpu.dimension_semantics<subcore_parallel>], iteration_bounds = array<i64: 2, 16>, scalar_prefetch = 0 : i64, scratch_operands = 6 : i64, tpu.core_type = #tpu.core_type<sc_vector_subcore>, window_params = [{transform_indices = #map}, {transform_indices = #map1}, {transform_indices = #map2}]} {
    %mul3A = arith.constant 1024 : i32
    %mul3A_0 = arith.muli %arg1, %mul3A : i32
    "tpu.region"() ({
      %run_scoped3A = tpu.sem_alloc : memref<!tpu.dma_semaphore, #tpu.memory_space<semaphore_mem>>
      %dma_start3A_356 = arith.constant 0 : i32
      %dma_start3A_357 = tpu.memref_slice %arg2[%dma_start3A_356, %mul3A_0] : memref<26x16384xi32, #tpu.memory_space<hbm>> -> memref<26x1024xi32, #tpu.memory_space<hbm>>
      %dma_start3A_358 = arith.constant 0 : i32
      %dma_start3A_359 = tpu.memref_slice %arg2[%dma_start3A_358, %mul3A_0] : memref<26x16384xi32, #tpu.memory_space<hbm>> -> memref<26x1024xi32, #tpu.memory_space<hbm>>
      tpu.enqueue_dma source(%dma_start3A_359 : memref<26x1024xi32, #tpu.memory_space<hbm>>) target(%arg5 : memref<26x1024xi32, #tpu.memory_space<vmem>>) target_semaphore(%run_scoped3A : memref<!tpu.dma_semaphore, #tpu.memory_space<semaphore_mem>>)
      %dma_wait3A_360 = arith.constant 0 : i32
      %dma_wait3A_361 = tpu.memref_slice %arg2[%dma_wait3A_360, %mul3A_0] : memref<26x16384xi32, #tpu.memory_space<hbm>> -> memref<26x1024xi32, #tpu.memory_space<hbm>>
      %dma_wait3A_362 = arith.constant 0 : i32
      %dma_wait3A_363 = tpu.memref_slice %arg2[%dma_wait3A_362, %mul3A_0] : memref<26x16384xi32, #tpu.memory_space<hbm>> -> memref<26x1024xi32, #tpu.memory_space<hbm>>
      tpu.wait_dma2 semaphore(%run_scoped3A : memref<!tpu.dma_semaphore, #tpu.memory_space<semaphore_mem>>) src(%dma_wait3A_363 : memref<26x1024xi32, #tpu.memory_space<hbm>>) dst(%arg5 : memref<26x1024xi32, #tpu.memory_space<vmem>>)
      tpu.yield
    }) : () -> ()
    %mul3A_1 = arith.constant 8 : i32
    %mul3A_2 = arith.muli %arg0, %mul3A_1 : i32
    %add3A = arith.constant 0 : i32
    %add3A_3 = arith.addi %mul3A_2, %add3A : i32
    %mul3A_4 = arith.constant 2 : i32
    %mul3A_5 = arith.muli %arg0, %mul3A_4 : i32
    %add3A_6 = arith.constant 0 : i32
    %add3A_7 = arith.addi %mul3A_5, %add3A_6 : i32
    %mul3A_8 = arith.constant 1048576 : i32
    %mul3A_9 = arith.muli %add3A_3, %mul3A_8 : i32
    %mul3A_10 = arith.constant 65536 : i32
    %mul3A_11 = arith.muli %arg1, %mul3A_10 : i32
    %add3A_12 = arith.addi %mul3A_9, %mul3A_11 : i32
    %mul3A_13 = arith.constant 65536 : i32
    %mul3A_14 = arith.muli %arg1, %mul3A_13 : i32
    %dma_start3A = tpu.memref_slice %arg7[%mul3A_14] : memref<1048576xi32, #tpu.memory_space<vmem_shared>> -> memref<65536xi32, #tpu.memory_space<vmem_shared>>
    %dma_start3A_15 = tpu.memref_slice %arg3[%add3A_12] : memref<16777216xi32, #tpu.memory_space<hbm>> -> memref<65536xi32, #tpu.memory_space<hbm>>
    tpu.enqueue_dma source(%dma_start3A_15 : memref<65536xi32, #tpu.memory_space<hbm>>) target(%dma_start3A : memref<65536xi32, #tpu.memory_space<vmem_shared>>) target_semaphore(%arg8 : memref<!tpu.dma_semaphore, #tpu.memory_space<semaphore_mem>>)
    %dma_wait3A = arith.constant 0 : i32
    %dma_wait3A_16 = tpu.memref_slice %arg7[%dma_wait3A] : memref<1048576xi32, #tpu.memory_space<vmem_shared>> -> memref<65536xi32, #tpu.memory_space<vmem_shared>>
    %dma_wait3A_17 = arith.constant 0 : i32
    %dma_wait3A_18 = tpu.memref_slice %arg3[%dma_wait3A_17] : memref<16777216xi32, #tpu.memory_space<hbm>> -> memref<65536xi32, #tpu.memory_space<hbm>>
    tpu.wait_dma2 semaphore(%arg8 : memref<!tpu.dma_semaphore, #tpu.memory_space<semaphore_mem>>) src(%dma_wait3A_18 : memref<65536xi32, #tpu.memory_space<hbm>>) dst(%dma_wait3A_16 : memref<65536xi32, #tpu.memory_space<vmem_shared>>)
    %barrier3A = arith.constant 0 : index
    tpu.barrier barrier_id(%barrier3A)
    %scan3A = arith.constant 0 : i32
    %scan3A_19 = arith.constant 26 : i32
    %scan3A_20 = arith.addi %scan3A, %scan3A_19 : i32
    %scan3A_21 = arith.constant 1 : i32
    scf.for %scan3A_356 = %scan3A to %scan3A_20 step %scan3A_21  : i32 {
      %mul3A_357 = arith.constant 1 : i32
      %mul3A_358 = arith.muli %scan3A_356, %mul3A_357 : i32
      %add3A_359 = arith.constant 0 : i32
      %add3A_360 = arith.addi %add3A_359, %mul3A_358 : i32
      %scan3A_361 = arith.constant 0 : i32
      %scan3A_362 = arith.constant 8 : i32
      %scan3A_363 = arith.addi %scan3A_361, %scan3A_362 : i32
      %scan3A_364 = arith.constant 1 : i32
      scf.for %scan3A_366 = %scan3A_361 to %scan3A_363 step %scan3A_364  : i32 {
        %mul3A_367 = arith.constant 1 : i32
        %mul3A_368 = arith.muli %scan3A_366, %mul3A_367 : i32
        %add3A_369 = arith.constant 0 : i32
        %add3A_370 = arith.addi %add3A_369, %mul3A_368 : i32
        %mul3A_371 = arith.constant 128 : i32
        %mul3A_372 = arith.muli %add3A_370, %mul3A_371 : i32
        %mul3A_373 = arith.constant 128 : i32
        %mul3A_374 = arith.muli %add3A_370, %mul3A_373 : i32
        %dma_start3A_375 = tpu.memref_slice %arg6[%add3A_360, %mul3A_374] : memref<26x1024xi32, #tpu.memory_space<vmem>> -> memref<1x128xi32, #tpu.memory_space<vmem>>
        %dma_start3A_376 = tpu.memref_squeeze %dma_start3A_375 : memref<1x128xi32, #tpu.memory_space<vmem>> -> memref<128xi32, #tpu.memory_space<vmem>>
        %dma_start3A_377 = tpu.memref_slice %arg5[%add3A_360, %mul3A_372] : memref<26x1024xi32, #tpu.memory_space<vmem>> -> memref<1x128xi32, #tpu.memory_space<vmem>>
        %dma_start3A_378 = tpu.memref_squeeze %dma_start3A_377 : memref<1x128xi32, #tpu.memory_space<vmem>> -> memref<128xi32, #tpu.memory_space<vmem>>
        %dma_start3A_379 = arith.constant 0 : i32
        %dma_start3A_380 = tpu.memref_slice %arg7[%dma_start3A_379] : memref<1048576xi32, #tpu.memory_space<vmem_shared>> -> memref<1048576xi32, #tpu.memory_space<vmem_shared>>
        tpu.enqueue_indirect_dma source(%dma_start3A_380 : memref<1048576xi32, #tpu.memory_space<vmem_shared>>) target(%dma_start3A_376 : memref<128xi32, #tpu.memory_space<vmem>>) offsets(%dma_start3A_378 : memref<128xi32, #tpu.memory_space<vmem>>) semaphore(%arg9 : memref<!tpu.dma_semaphore, #tpu.memory_space<semaphore_mem>>)
      }
      %scan3A_365 = arith.constant 8 : i32
    }
    %scan3A_22 = arith.constant 26 : i32
    %dma_wait3A_23 = arith.constant 0 : i32
    %dma_wait3A_24 = arith.constant 0 : i32
    %dma_wait3A_25 = tpu.memref_slice %arg2[%dma_wait3A_23, %dma_wait3A_24] : memref<26x16384xi32, #tpu.memory_space<hbm>> -> memref<26x1024xi32, #tpu.memory_space<hbm>>
    %dma_wait3A_26 = arith.constant 0 : i32
    %dma_wait3A_27 = arith.constant 0 : i32
    %dma_wait3A_28 = tpu.memref_slice %arg2[%dma_wait3A_26, %dma_wait3A_27] : memref<26x16384xi32, #tpu.memory_space<hbm>> -> memref<26x1024xi32, #tpu.memory_space<hbm>>
    tpu.wait_dma2 semaphore(%arg9 : memref<!tpu.dma_semaphore, #tpu.memory_space<semaphore_mem>>) src(%dma_wait3A_28 : memref<26x1024xi32, #tpu.memory_space<hbm>>) dst(%arg6 : memref<26x1024xi32, #tpu.memory_space<vmem>>)
    %scan3A_29 = arith.constant 0 : i32
    %scan3A_30 = arith.constant 26 : i32
    %scan3A_31 = arith.addi %scan3A_29, %scan3A_30 : i32
    %scan3A_32 = arith.constant 1 : i32
    scf.for %scan3A_356 = %scan3A_29 to %scan3A_31 step %scan3A_32  : i32 {
      %mul3A_357 = arith.constant 1 : i32
      %mul3A_358 = arith.muli %scan3A_356, %mul3A_357 : i32
      %add3A_359 = arith.constant 0 : i32
      %add3A_360 = arith.addi %add3A_359, %mul3A_358 : i32
      %scan3A_361 = arith.constant 0 : i32
      %scan3A_362 = arith.constant 8 : i32
      %scan3A_363 = arith.addi %scan3A_361, %scan3A_362 : i32
      %scan3A_364 = arith.constant 1 : i32
      scf.for %scan3A_366 = %scan3A_361 to %scan3A_363 step %scan3A_364  : i32 {
        %mul3A_367 = arith.constant 1 : i32
        %mul3A_368 = arith.muli %scan3A_366, %mul3A_367 : i32
        %add3A_369 = arith.constant 0 : i32
        %add3A_370 = arith.addi %add3A_369, %mul3A_368 : i32
        %mul3A_371 = arith.constant 128 : i32
        %mul3A_372 = arith.muli %add3A_370, %mul3A_371 : i32
        %mul3A_373 = arith.constant 8 : i32
        %mul3A_374 = arith.muli %mul3A_373, %arg1 : i32
        %add3A_375 = arith.addi %mul3A_374, %add3A_370 : i32
        %dma_start3A_376 = arith.constant 0 : i32
        %dma_start3A_377 = tpu.memref_slice %arg6[%add3A_360, %mul3A_372] : memref<26x1024xi32, #tpu.memory_space<vmem>> -> memref<1x128xi32, #tpu.memory_space<vmem>>
        %dma_start3A_378 = tpu.memref_squeeze %dma_start3A_377 : memref<1x128xi32, #tpu.memory_space<vmem>> -> memref<128xi32, #tpu.memory_space<vmem>>
        %dma_start3A_379 = arith.constant 0 : i32
        %dma_start3A_380 = tpu.memref_slice %arg4[%add3A_360, %add3A_7, %add3A_375, %dma_start3A_376, %dma_start3A_379] : memref<26x4x128x4x128xi32, #tpu.memory_space<hbm>> -> memref<1x1x1x1x128xi32, #tpu.memory_space<hbm>>
        %dma_start3A_381 = tpu.memref_squeeze %dma_start3A_380 : memref<1x1x1x1x128xi32, #tpu.memory_space<hbm>> -> memref<128xi32, #tpu.memory_space<hbm>>
        %dma_start3A_382 = arith.constant 0 : i32
        %dma_start3A_383 = tpu.memref_slice %arg4[%add3A_360, %add3A_7, %add3A_375, %dma_start3A_376, %dma_start3A_382] : memref<26x4x128x4x128xi32, #tpu.memory_space<hbm>> -> memref<1x1x1x1x128xi32, #tpu.memory_space<hbm>>
        %dma_start3A_384 = tpu.memref_squeeze %dma_start3A_383 : memref<1x1x1x1x128xi32, #tpu.memory_space<hbm>> -> memref<128xi32, #tpu.memory_space<hbm>>
        %dma_start3A_385 = tpu.memref_slice %arg6[%add3A_360, %mul3A_372] : memref<26x1024xi32, #tpu.memory_space<vmem>> -> memref<1x128xi32, #tpu.memory_space<vmem>>
        %dma_start3A_386 = tpu.memref_squeeze %dma_start3A_385 : memref<1x128xi32, #tpu.memory_space<vmem>> -> memref<128xi32, #tpu.memory_space<vmem>>
        tpu.enqueue_dma source(%dma_start3A_386 : memref<128xi32, #tpu.memory_space<vmem>>) target(%dma_start3A_384 : memref<128xi32, #tpu.memory_space<hbm>>) target_semaphore(%arg10 : memref<!tpu.dma_semaphore, #tpu.memory_space<semaphore_mem>>)
      }
      %scan3A_365 = arith.constant 8 : i32
    }
    %scan3A_33 = arith.constant 26 : i32
    %barrier3A_34 = arith.constant 0 : index
    tpu.barrier barrier_id(%barrier3A_34)
    %mul3A_35 = arith.constant 8 : i32
    %mul3A_36 = arith.muli %arg0, %mul3A_35 : i32
    %add3A_37 = arith.constant 1 : i32
    %add3A_38 = arith.addi %mul3A_36, %add3A_37 : i32
    %mul3A_39 = arith.constant 2 : i32
    %mul3A_40 = arith.muli %arg0, %mul3A_39 : i32
    %add3A_41 = arith.constant 0 : i32
    %add3A_42 = arith.addi %mul3A_40, %add3A_41 : i32
    %mul3A_43 = arith.constant 1048576 : i32
    %mul3A_44 = arith.muli %add3A_38, %mul3A_43 : i32
    %mul3A_45 = arith.constant 65536 : i32
    %mul3A_46 = arith.muli %arg1, %mul3A_45 : i32
    %add3A_47 = arith.addi %mul3A_44, %mul3A_46 : i32
    %mul3A_48 = arith.constant 65536 : i32
    %mul3A_49 = arith.muli %arg1, %mul3A_48 : i32
    %dma_start3A_50 = tpu.memref_slice %arg7[%mul3A_49] : memref<1048576xi32, #tpu.memory_space<vmem_shared>> -> memref<65536xi32, #tpu.memory_space<vmem_shared>>
    %dma_start3A_51 = tpu.memref_slice %arg3[%add3A_47] : memref<16777216xi32, #tpu.memory_space<hbm>> -> memref<65536xi32, #tpu.memory_space<hbm>>
    tpu.enqueue_dma source(%dma_start3A_51 : memref<65536xi32, #tpu.memory_space<hbm>>) target(%dma_start3A_50 : memref<65536xi32, #tpu.memory_space<vmem_shared>>) target_semaphore(%arg8 : memref<!tpu.dma_semaphore, #tpu.memory_space<semaphore_mem>>)
    %dma_wait3A_52 = arith.constant 0 : i32
    %dma_wait3A_53 = tpu.memref_slice %arg7[%dma_wait3A_52] : memref<1048576xi32, #tpu.memory_space<vmem_shared>> -> memref<65536xi32, #tpu.memory_space<vmem_shared>>
    %dma_wait3A_54 = arith.constant 0 : i32
    %dma_wait3A_55 = tpu.memref_slice %arg3[%dma_wait3A_54] : memref<16777216xi32, #tpu.memory_space<hbm>> -> memref<65536xi32, #tpu.memory_space<hbm>>
    tpu.wait_dma2 semaphore(%arg8 : memref<!tpu.dma_semaphore, #tpu.memory_space<semaphore_mem>>) src(%dma_wait3A_55 : memref<65536xi32, #tpu.memory_space<hbm>>) dst(%dma_wait3A_53 : memref<65536xi32, #tpu.memory_space<vmem_shared>>)
    %barrier3A_56 = arith.constant 0 : index
    tpu.barrier barrier_id(%barrier3A_56)
    %dma_wait3A_57 = arith.constant 0 : i32
    %dma_wait3A_58 = arith.constant 0 : i32
    %dma_wait3A_59 = tpu.memref_slice %arg2[%dma_wait3A_57, %dma_wait3A_58] : memref<26x16384xi32, #tpu.memory_space<hbm>> -> memref<26x1024xi32, #tpu.memory_space<hbm>>
    %dma_wait3A_60 = arith.constant 0 : i32
    %dma_wait3A_61 = arith.constant 0 : i32
    %dma_wait3A_62 = tpu.memref_slice %arg2[%dma_wait3A_60, %dma_wait3A_61] : memref<26x16384xi32, #tpu.memory_space<hbm>> -> memref<26x1024xi32, #tpu.memory_space<hbm>>
    tpu.wait_dma2 semaphore(%arg10 : memref<!tpu.dma_semaphore, #tpu.memory_space<semaphore_mem>>) src(%dma_wait3A_62 : memref<26x1024xi32, #tpu.memory_space<hbm>>) dst(%arg6 : memref<26x1024xi32, #tpu.memory_space<vmem>>)
    %scan3A_63 = arith.constant 0 : i32
    %scan3A_64 = arith.constant 26 : i32
    %scan3A_65 = arith.addi %scan3A_63, %scan3A_64 : i32
    %scan3A_66 = arith.constant 1 : i32
    scf.for %scan3A_356 = %scan3A_63 to %scan3A_65 step %scan3A_66  : i32 {
      %mul3A_357 = arith.constant 1 : i32
      %mul3A_358 = arith.muli %scan3A_356, %mul3A_357 : i32
      %add3A_359 = arith.constant 0 : i32
      %add3A_360 = arith.addi %add3A_359, %mul3A_358 : i32
      %scan3A_361 = arith.constant 0 : i32
      %scan3A_362 = arith.constant 8 : i32
      %scan3A_363 = arith.addi %scan3A_361, %scan3A_362 : i32
      %scan3A_364 = arith.constant 1 : i32
      scf.for %scan3A_366 = %scan3A_361 to %scan3A_363 step %scan3A_364  : i32 {
        %mul3A_367 = arith.constant 1 : i32
        %mul3A_368 = arith.muli %scan3A_366, %mul3A_367 : i32
        %add3A_369 = arith.constant 0 : i32
        %add3A_370 = arith.addi %add3A_369, %mul3A_368 : i32
        %mul3A_371 = arith.constant 128 : i32
        %mul3A_372 = arith.muli %add3A_370, %mul3A_371 : i32
        %mul3A_373 = arith.constant 128 : i32
        %mul3A_374 = arith.muli %add3A_370, %mul3A_373 : i32
        %dma_start3A_375 = tpu.memref_slice %arg6[%add3A_360, %mul3A_374] : memref<26x1024xi32, #tpu.memory_space<vmem>> -> memref<1x128xi32, #tpu.memory_space<vmem>>
        %dma_start3A_376 = tpu.memref_squeeze %dma_start3A_375 : memref<1x128xi32, #tpu.memory_space<vmem>> -> memref<128xi32, #tpu.memory_space<vmem>>
        %dma_start3A_377 = tpu.memref_slice %arg5[%add3A_360, %mul3A_372] : memref<26x1024xi32, #tpu.memory_space<vmem>> -> memref<1x128xi32, #tpu.memory_space<vmem>>
        %dma_start3A_378 = tpu.memref_squeeze %dma_start3A_377 : memref<1x128xi32, #tpu.memory_space<vmem>> -> memref<128xi32, #tpu.memory_space<vmem>>
        %dma_start3A_379 = arith.constant 0 : i32
        %dma_start3A_380 = tpu.memref_slice %arg7[%dma_start3A_379] : memref<1048576xi32, #tpu.memory_space<vmem_shared>> -> memref<1048576xi32, #tpu.memory_space<vmem_shared>>
        tpu.enqueue_indirect_dma source(%dma_start3A_380 : memref<1048576xi32, #tpu.memory_space<vmem_shared>>) target(%dma_start3A_376 : memref<128xi32, #tpu.memory_space<vmem>>) offsets(%dma_start3A_378 : memref<128xi32, #tpu.memory_space<vmem>>) semaphore(%arg9 : memref<!tpu.dma_semaphore, #tpu.memory_space<semaphore_mem>>)
      }
      %scan3A_365 = arith.constant 8 : i32
    }
    %scan3A_67 = arith.constant 26 : i32
    %dma_wait3A_68 = arith.constant 0 : i32
    %dma_wait3A_69 = arith.constant 0 : i32
    %dma_wait3A_70 = tpu.memref_slice %arg2[%dma_wait3A_68, %dma_wait3A_69] : memref<26x16384xi32, #tpu.memory_space<hbm>> -> memref<26x1024xi32, #tpu.memory_space<hbm>>
    %dma_wait3A_71 = arith.constant 0 : i32
    %dma_wait3A_72 = arith.constant 0 : i32
    %dma_wait3A_73 = tpu.memref_slice %arg2[%dma_wait3A_71, %dma_wait3A_72] : memref<26x16384xi32, #tpu.memory_space<hbm>> -> memref<26x1024xi32, #tpu.memory_space<hbm>>
    tpu.wait_dma2 semaphore(%arg9 : memref<!tpu.dma_semaphore, #tpu.memory_space<semaphore_mem>>) src(%dma_wait3A_73 : memref<26x1024xi32, #tpu.memory_space<hbm>>) dst(%arg6 : memref<26x1024xi32, #tpu.memory_space<vmem>>)
    %scan3A_74 = arith.constant 0 : i32
    %scan3A_75 = arith.constant 26 : i32
    %scan3A_76 = arith.addi %scan3A_74, %scan3A_75 : i32
    %scan3A_77 = arith.constant 1 : i32
    scf.for %scan3A_356 = %scan3A_74 to %scan3A_76 step %scan3A_77  : i32 {
      %mul3A_357 = arith.constant 1 : i32
      %mul3A_358 = arith.muli %scan3A_356, %mul3A_357 : i32
      %add3A_359 = arith.constant 0 : i32
      %add3A_360 = arith.addi %add3A_359, %mul3A_358 : i32
      %scan3A_361 = arith.constant 0 : i32
      %scan3A_362 = arith.constant 8 : i32
      %scan3A_363 = arith.addi %scan3A_361, %scan3A_362 : i32
      %scan3A_364 = arith.constant 1 : i32
      scf.for %scan3A_366 = %scan3A_361 to %scan3A_363 step %scan3A_364  : i32 {
        %mul3A_367 = arith.constant 1 : i32
        %mul3A_368 = arith.muli %scan3A_366, %mul3A_367 : i32
        %add3A_369 = arith.constant 0 : i32
        %add3A_370 = arith.addi %add3A_369, %mul3A_368 : i32
        %mul3A_371 = arith.constant 128 : i32
        %mul3A_372 = arith.muli %add3A_370, %mul3A_371 : i32
        %mul3A_373 = arith.constant 8 : i32
        %mul3A_374 = arith.muli %mul3A_373, %arg1 : i32
        %add3A_375 = arith.addi %mul3A_374, %add3A_370 : i32
        %dma_start3A_376 = arith.constant 1 : i32
        %dma_start3A_377 = tpu.memref_slice %arg6[%add3A_360, %mul3A_372] : memref<26x1024xi32, #tpu.memory_space<vmem>> -> memref<1x128xi32, #tpu.memory_space<vmem>>
        %dma_start3A_378 = tpu.memref_squeeze %dma_start3A_377 : memref<1x128xi32, #tpu.memory_space<vmem>> -> memref<128xi32, #tpu.memory_space<vmem>>
        %dma_start3A_379 = arith.constant 0 : i32
        %dma_start3A_380 = tpu.memref_slice %arg4[%add3A_360, %add3A_42, %add3A_375, %dma_start3A_376, %dma_start3A_379] : memref<26x4x128x4x128xi32, #tpu.memory_space<hbm>> -> memref<1x1x1x1x128xi32, #tpu.memory_space<hbm>>
        %dma_start3A_381 = tpu.memref_squeeze %dma_start3A_380 : memref<1x1x1x1x128xi32, #tpu.memory_space<hbm>> -> memref<128xi32, #tpu.memory_space<hbm>>
        %dma_start3A_382 = arith.constant 0 : i32
        %dma_start3A_383 = tpu.memref_slice %arg4[%add3A_360, %add3A_42, %add3A_375, %dma_start3A_376, %dma_start3A_382] : memref<26x4x128x4x128xi32, #tpu.memory_space<hbm>> -> memref<1x1x1x1x128xi32, #tpu.memory_space<hbm>>
        %dma_start3A_384 = tpu.memref_squeeze %dma_start3A_383 : memref<1x1x1x1x128xi32, #tpu.memory_space<hbm>> -> memref<128xi32, #tpu.memory_space<hbm>>
        %dma_start3A_385 = tpu.memref_slice %arg6[%add3A_360, %mul3A_372] : memref<26x1024xi32, #tpu.memory_space<vmem>> -> memref<1x128xi32, #tpu.memory_space<vmem>>
        %dma_start3A_386 = tpu.memref_squeeze %dma_start3A_385 : memref<1x128xi32, #tpu.memory_space<vmem>> -> memref<128xi32, #tpu.memory_space<vmem>>
        tpu.enqueue_dma source(%dma_start3A_386 : memref<128xi32, #tpu.memory_space<vmem>>) target(%dma_start3A_384 : memref<128xi32, #tpu.memory_space<hbm>>) target_semaphore(%arg10 : memref<!tpu.dma_semaphore, #tpu.memory_space<semaphore_mem>>)
      }
      %scan3A_365 = arith.constant 8 : i32
    }
    %scan3A_78 = arith.constant 26 : i32
    %barrier3A_79 = arith.constant 0 : index
    tpu.barrier barrier_id(%barrier3A_79)
    %mul3A_80 = arith.constant 8 : i32
    %mul3A_81 = arith.muli %arg0, %mul3A_80 : i32
    %add3A_82 = arith.constant 2 : i32
    %add3A_83 = arith.addi %mul3A_81, %add3A_82 : i32
    %mul3A_84 = arith.constant 2 : i32
    %mul3A_85 = arith.muli %arg0, %mul3A_84 : i32
    %add3A_86 = arith.constant 0 : i32
    %add3A_87 = arith.addi %mul3A_85, %add3A_86 : i32
    %mul3A_88 = arith.constant 1048576 : i32
    %mul3A_89 = arith.muli %add3A_83, %mul3A_88 : i32
    %mul3A_90 = arith.constant 65536 : i32
    %mul3A_91 = arith.muli %arg1, %mul3A_90 : i32
    %add3A_92 = arith.addi %mul3A_89, %mul3A_91 : i32
    %mul3A_93 = arith.constant 65536 : i32
    %mul3A_94 = arith.muli %arg1, %mul3A_93 : i32
    %dma_start3A_95 = tpu.memref_slice %arg7[%mul3A_94] : memref<1048576xi32, #tpu.memory_space<vmem_shared>> -> memref<65536xi32, #tpu.memory_space<vmem_shared>>
    %dma_start3A_96 = tpu.memref_slice %arg3[%add3A_92] : memref<16777216xi32, #tpu.memory_space<hbm>> -> memref<65536xi32, #tpu.memory_space<hbm>>
    tpu.enqueue_dma source(%dma_start3A_96 : memref<65536xi32, #tpu.memory_space<hbm>>) target(%dma_start3A_95 : memref<65536xi32, #tpu.memory_space<vmem_shared>>) target_semaphore(%arg8 : memref<!tpu.dma_semaphore, #tpu.memory_space<semaphore_mem>>)
    %dma_wait3A_97 = arith.constant 0 : i32
    %dma_wait3A_98 = tpu.memref_slice %arg7[%dma_wait3A_97] : memref<1048576xi32, #tpu.memory_space<vmem_shared>> -> memref<65536xi32, #tpu.memory_space<vmem_shared>>
    %dma_wait3A_99 = arith.constant 0 : i32
    %dma_wait3A_100 = tpu.memref_slice %arg3[%dma_wait3A_99] : memref<16777216xi32, #tpu.memory_space<hbm>> -> memref<65536xi32, #tpu.memory_space<hbm>>
    tpu.wait_dma2 semaphore(%arg8 : memref<!tpu.dma_semaphore, #tpu.memory_space<semaphore_mem>>) src(%dma_wait3A_100 : memref<65536xi32, #tpu.memory_space<hbm>>) dst(%dma_wait3A_98 : memref<65536xi32, #tpu.memory_space<vmem_shared>>)
    %barrier3A_101 = arith.constant 0 : index
    tpu.barrier barrier_id(%barrier3A_101)
    %dma_wait3A_102 = arith.constant 0 : i32
    %dma_wait3A_103 = arith.constant 0 : i32
    %dma_wait3A_104 = tpu.memref_slice %arg2[%dma_wait3A_102, %dma_wait3A_103] : memref<26x16384xi32, #tpu.memory_space<hbm>> -> memref<26x1024xi32, #tpu.memory_space<hbm>>
    %dma_wait3A_105 = arith.constant 0 : i32
    %dma_wait3A_106 = arith.constant 0 : i32
    %dma_wait3A_107 = tpu.memref_slice %arg2[%dma_wait3A_105, %dma_wait3A_106] : memref<26x16384xi32, #tpu.memory_space<hbm>> -> memref<26x1024xi32, #tpu.memory_space<hbm>>
    tpu.wait_dma2 semaphore(%arg10 : memref<!tpu.dma_semaphore, #tpu.memory_space<semaphore_mem>>) src(%dma_wait3A_107 : memref<26x1024xi32, #tpu.memory_space<hbm>>) dst(%arg6 : memref<26x1024xi32, #tpu.memory_space<vmem>>)
    %scan3A_108 = arith.constant 0 : i32
    %scan3A_109 = arith.constant 26 : i32
    %scan3A_110 = arith.addi %scan3A_108, %scan3A_109 : i32
    %scan3A_111 = arith.constant 1 : i32
    scf.for %scan3A_356 = %scan3A_108 to %scan3A_110 step %scan3A_111  : i32 {
      %mul3A_357 = arith.constant 1 : i32
      %mul3A_358 = arith.muli %scan3A_356, %mul3A_357 : i32
      %add3A_359 = arith.constant 0 : i32
      %add3A_360 = arith.addi %add3A_359, %mul3A_358 : i32
      %scan3A_361 = arith.constant 0 : i32
      %scan3A_362 = arith.constant 8 : i32
      %scan3A_363 = arith.addi %scan3A_361, %scan3A_362 : i32
      %scan3A_364 = arith.constant 1 : i32
      scf.for %scan3A_366 = %scan3A_361 to %scan3A_363 step %scan3A_364  : i32 {
        %mul3A_367 = arith.constant 1 : i32
        %mul3A_368 = arith.muli %scan3A_366, %mul3A_367 : i32
        %add3A_369 = arith.constant 0 : i32
        %add3A_370 = arith.addi %add3A_369, %mul3A_368 : i32
        %mul3A_371 = arith.constant 128 : i32
        %mul3A_372 = arith.muli %add3A_370, %mul3A_371 : i32
        %mul3A_373 = arith.constant 128 : i32
        %mul3A_374 = arith.muli %add3A_370, %mul3A_373 : i32
        %dma_start3A_375 = tpu.memref_slice %arg6[%add3A_360, %mul3A_374] : memref<26x1024xi32, #tpu.memory_space<vmem>> -> memref<1x128xi32, #tpu.memory_space<vmem>>
        %dma_start3A_376 = tpu.memref_squeeze %dma_start3A_375 : memref<1x128xi32, #tpu.memory_space<vmem>> -> memref<128xi32, #tpu.memory_space<vmem>>
        %dma_start3A_377 = tpu.memref_slice %arg5[%add3A_360, %mul3A_372] : memref<26x1024xi32, #tpu.memory_space<vmem>> -> memref<1x128xi32, #tpu.memory_space<vmem>>
        %dma_start3A_378 = tpu.memref_squeeze %dma_start3A_377 : memref<1x128xi32, #tpu.memory_space<vmem>> -> memref<128xi32, #tpu.memory_space<vmem>>
        %dma_start3A_379 = arith.constant 0 : i32
        %dma_start3A_380 = tpu.memref_slice %arg7[%dma_start3A_379] : memref<1048576xi32, #tpu.memory_space<vmem_shared>> -> memref<1048576xi32, #tpu.memory_space<vmem_shared>>
        tpu.enqueue_indirect_dma source(%dma_start3A_380 : memref<1048576xi32, #tpu.memory_space<vmem_shared>>) target(%dma_start3A_376 : memref<128xi32, #tpu.memory_space<vmem>>) offsets(%dma_start3A_378 : memref<128xi32, #tpu.memory_space<vmem>>) semaphore(%arg9 : memref<!tpu.dma_semaphore, #tpu.memory_space<semaphore_mem>>)
      }
      %scan3A_365 = arith.constant 8 : i32
    }
    %scan3A_112 = arith.constant 26 : i32
    %dma_wait3A_113 = arith.constant 0 : i32
    %dma_wait3A_114 = arith.constant 0 : i32
    %dma_wait3A_115 = tpu.memref_slice %arg2[%dma_wait3A_113, %dma_wait3A_114] : memref<26x16384xi32, #tpu.memory_space<hbm>> -> memref<26x1024xi32, #tpu.memory_space<hbm>>
    %dma_wait3A_116 = arith.constant 0 : i32
    %dma_wait3A_117 = arith.constant 0 : i32
    %dma_wait3A_118 = tpu.memref_slice %arg2[%dma_wait3A_116, %dma_wait3A_117] : memref<26x16384xi32, #tpu.memory_space<hbm>> -> memref<26x1024xi32, #tpu.memory_space<hbm>>
    tpu.wait_dma2 semaphore(%arg9 : memref<!tpu.dma_semaphore, #tpu.memory_space<semaphore_mem>>) src(%dma_wait3A_118 : memref<26x1024xi32, #tpu.memory_space<hbm>>) dst(%arg6 : memref<26x1024xi32, #tpu.memory_space<vmem>>)
    %scan3A_119 = arith.constant 0 : i32
    %scan3A_120 = arith.constant 26 : i32
    %scan3A_121 = arith.addi %scan3A_119, %scan3A_120 : i32
    %scan3A_122 = arith.constant 1 : i32
    scf.for %scan3A_356 = %scan3A_119 to %scan3A_121 step %scan3A_122  : i32 {
      %mul3A_357 = arith.constant 1 : i32
      %mul3A_358 = arith.muli %scan3A_356, %mul3A_357 : i32
      %add3A_359 = arith.constant 0 : i32
      %add3A_360 = arith.addi %add3A_359, %mul3A_358 : i32
      %scan3A_361 = arith.constant 0 : i32
      %scan3A_362 = arith.constant 8 : i32
      %scan3A_363 = arith.addi %scan3A_361, %scan3A_362 : i32
      %scan3A_364 = arith.constant 1 : i32
      scf.for %scan3A_366 = %scan3A_361 to %scan3A_363 step %scan3A_364  : i32 {
        %mul3A_367 = arith.constant 1 : i32
        %mul3A_368 = arith.muli %scan3A_366, %mul3A_367 : i32
        %add3A_369 = arith.constant 0 : i32
        %add3A_370 = arith.addi %add3A_369, %mul3A_368 : i32
        %mul3A_371 = arith.constant 128 : i32
        %mul3A_372 = arith.muli %add3A_370, %mul3A_371 : i32
        %mul3A_373 = arith.constant 8 : i32
        %mul3A_374 = arith.muli %mul3A_373, %arg1 : i32
        %add3A_375 = arith.addi %mul3A_374, %add3A_370 : i32
        %dma_start3A_376 = arith.constant 2 : i32
        %dma_start3A_377 = tpu.memref_slice %arg6[%add3A_360, %mul3A_372] : memref<26x1024xi32, #tpu.memory_space<vmem>> -> memref<1x128xi32, #tpu.memory_space<vmem>>
        %dma_start3A_378 = tpu.memref_squeeze %dma_start3A_377 : memref<1x128xi32, #tpu.memory_space<vmem>> -> memref<128xi32, #tpu.memory_space<vmem>>
        %dma_start3A_379 = arith.constant 0 : i32
        %dma_start3A_380 = tpu.memref_slice %arg4[%add3A_360, %add3A_87, %add3A_375, %dma_start3A_376, %dma_start3A_379] : memref<26x4x128x4x128xi32, #tpu.memory_space<hbm>> -> memref<1x1x1x1x128xi32, #tpu.memory_space<hbm>>
        %dma_start3A_381 = tpu.memref_squeeze %dma_start3A_380 : memref<1x1x1x1x128xi32, #tpu.memory_space<hbm>> -> memref<128xi32, #tpu.memory_space<hbm>>
        %dma_start3A_382 = arith.constant 0 : i32
        %dma_start3A_383 = tpu.memref_slice %arg4[%add3A_360, %add3A_87, %add3A_375, %dma_start3A_376, %dma_start3A_382] : memref<26x4x128x4x128xi32, #tpu.memory_space<hbm>> -> memref<1x1x1x1x128xi32, #tpu.memory_space<hbm>>
        %dma_start3A_384 = tpu.memref_squeeze %dma_start3A_383 : memref<1x1x1x1x128xi32, #tpu.memory_space<hbm>> -> memref<128xi32, #tpu.memory_space<hbm>>
        %dma_start3A_385 = tpu.memref_slice %arg6[%add3A_360, %mul3A_372] : memref<26x1024xi32, #tpu.memory_space<vmem>> -> memref<1x128xi32, #tpu.memory_space<vmem>>
        %dma_start3A_386 = tpu.memref_squeeze %dma_start3A_385 : memref<1x128xi32, #tpu.memory_space<vmem>> -> memref<128xi32, #tpu.memory_space<vmem>>
        tpu.enqueue_dma source(%dma_start3A_386 : memref<128xi32, #tpu.memory_space<vmem>>) target(%dma_start3A_384 : memref<128xi32, #tpu.memory_space<hbm>>) target_semaphore(%arg10 : memref<!tpu.dma_semaphore, #tpu.memory_space<semaphore_mem>>)
      }
      %scan3A_365 = arith.constant 8 : i32
    }
    %scan3A_123 = arith.constant 26 : i32
    %barrier3A_124 = arith.constant 0 : index
    tpu.barrier barrier_id(%barrier3A_124)
    %mul3A_125 = arith.constant 8 : i32
    %mul3A_126 = arith.muli %arg0, %mul3A_125 : i32
    %add3A_127 = arith.constant 3 : i32
    %add3A_128 = arith.addi %mul3A_126, %add3A_127 : i32
    %mul3A_129 = arith.constant 2 : i32
    %mul3A_130 = arith.muli %arg0, %mul3A_129 : i32
    %add3A_131 = arith.constant 0 : i32
    %add3A_132 = arith.addi %mul3A_130, %add3A_131 : i32
    %mul3A_133 = arith.constant 1048576 : i32
    %mul3A_134 = arith.muli %add3A_128, %mul3A_133 : i32
    %mul3A_135 = arith.constant 65536 : i32
    %mul3A_136 = arith.muli %arg1, %mul3A_135 : i32
    %add3A_137 = arith.addi %mul3A_134, %mul3A_136 : i32
    %mul3A_138 = arith.constant 65536 : i32
    %mul3A_139 = arith.muli %arg1, %mul3A_138 : i32
    %dma_start3A_140 = tpu.memref_slice %arg7[%mul3A_139] : memref<1048576xi32, #tpu.memory_space<vmem_shared>> -> memref<65536xi32, #tpu.memory_space<vmem_shared>>
    %dma_start3A_141 = tpu.memref_slice %arg3[%add3A_137] : memref<16777216xi32, #tpu.memory_space<hbm>> -> memref<65536xi32, #tpu.memory_space<hbm>>
    tpu.enqueue_dma source(%dma_start3A_141 : memref<65536xi32, #tpu.memory_space<hbm>>) target(%dma_start3A_140 : memref<65536xi32, #tpu.memory_space<vmem_shared>>) target_semaphore(%arg8 : memref<!tpu.dma_semaphore, #tpu.memory_space<semaphore_mem>>)
    %dma_wait3A_142 = arith.constant 0 : i32
    %dma_wait3A_143 = tpu.memref_slice %arg7[%dma_wait3A_142] : memref<1048576xi32, #tpu.memory_space<vmem_shared>> -> memref<65536xi32, #tpu.memory_space<vmem_shared>>
    %dma_wait3A_144 = arith.constant 0 : i32
    %dma_wait3A_145 = tpu.memref_slice %arg3[%dma_wait3A_144] : memref<16777216xi32, #tpu.memory_space<hbm>> -> memref<65536xi32, #tpu.memory_space<hbm>>
    tpu.wait_dma2 semaphore(%arg8 : memref<!tpu.dma_semaphore, #tpu.memory_space<semaphore_mem>>) src(%dma_wait3A_145 : memref<65536xi32, #tpu.memory_space<hbm>>) dst(%dma_wait3A_143 : memref<65536xi32, #tpu.memory_space<vmem_shared>>)
    %barrier3A_146 = arith.constant 0 : index
    tpu.barrier barrier_id(%barrier3A_146)
    %dma_wait3A_147 = arith.constant 0 : i32
    %dma_wait3A_148 = arith.constant 0 : i32
    %dma_wait3A_149 = tpu.memref_slice %arg2[%dma_wait3A_147, %dma_wait3A_148] : memref<26x16384xi32, #tpu.memory_space<hbm>> -> memref<26x1024xi32, #tpu.memory_space<hbm>>
    %dma_wait3A_150 = arith.constant 0 : i32
    %dma_wait3A_151 = arith.constant 0 : i32
    %dma_wait3A_152 = tpu.memref_slice %arg2[%dma_wait3A_150, %dma_wait3A_151] : memref<26x16384xi32, #tpu.memory_space<hbm>> -> memref<26x1024xi32, #tpu.memory_space<hbm>>
    tpu.wait_dma2 semaphore(%arg10 : memref<!tpu.dma_semaphore, #tpu.memory_space<semaphore_mem>>) src(%dma_wait3A_152 : memref<26x1024xi32, #tpu.memory_space<hbm>>) dst(%arg6 : memref<26x1024xi32, #tpu.memory_space<vmem>>)
    %scan3A_153 = arith.constant 0 : i32
    %scan3A_154 = arith.constant 26 : i32
    %scan3A_155 = arith.addi %scan3A_153, %scan3A_154 : i32
    %scan3A_156 = arith.constant 1 : i32
    scf.for %scan3A_356 = %scan3A_153 to %scan3A_155 step %scan3A_156  : i32 {
      %mul3A_357 = arith.constant 1 : i32
      %mul3A_358 = arith.muli %scan3A_356, %mul3A_357 : i32
      %add3A_359 = arith.constant 0 : i32
      %add3A_360 = arith.addi %add3A_359, %mul3A_358 : i32
      %scan3A_361 = arith.constant 0 : i32
      %scan3A_362 = arith.constant 8 : i32
      %scan3A_363 = arith.addi %scan3A_361, %scan3A_362 : i32
      %scan3A_364 = arith.constant 1 : i32
      scf.for %scan3A_366 = %scan3A_361 to %scan3A_363 step %scan3A_364  : i32 {
        %mul3A_367 = arith.constant 1 : i32
        %mul3A_368 = arith.muli %scan3A_366, %mul3A_367 : i32
        %add3A_369 = arith.constant 0 : i32
        %add3A_370 = arith.addi %add3A_369, %mul3A_368 : i32
        %mul3A_371 = arith.constant 128 : i32
        %mul3A_372 = arith.muli %add3A_370, %mul3A_371 : i32
        %mul3A_373 = arith.constant 128 : i32
        %mul3A_374 = arith.muli %add3A_370, %mul3A_373 : i32
        %dma_start3A_375 = tpu.memref_slice %arg6[%add3A_360, %mul3A_374] : memref<26x1024xi32, #tpu.memory_space<vmem>> -> memref<1x128xi32, #tpu.memory_space<vmem>>
        %dma_start3A_376 = tpu.memref_squeeze %dma_start3A_375 : memref<1x128xi32, #tpu.memory_space<vmem>> -> memref<128xi32, #tpu.memory_space<vmem>>
        %dma_start3A_377 = tpu.memref_slice %arg5[%add3A_360, %mul3A_372] : memref<26x1024xi32, #tpu.memory_space<vmem>> -> memref<1x128xi32, #tpu.memory_space<vmem>>
        %dma_start3A_378 = tpu.memref_squeeze %dma_start3A_377 : memref<1x128xi32, #tpu.memory_space<vmem>> -> memref<128xi32, #tpu.memory_space<vmem>>
        %dma_start3A_379 = arith.constant 0 : i32
        %dma_start3A_380 = tpu.memref_slice %arg7[%dma_start3A_379] : memref<1048576xi32, #tpu.memory_space<vmem_shared>> -> memref<1048576xi32, #tpu.memory_space<vmem_shared>>
        tpu.enqueue_indirect_dma source(%dma_start3A_380 : memref<1048576xi32, #tpu.memory_space<vmem_shared>>) target(%dma_start3A_376 : memref<128xi32, #tpu.memory_space<vmem>>) offsets(%dma_start3A_378 : memref<128xi32, #tpu.memory_space<vmem>>) semaphore(%arg9 : memref<!tpu.dma_semaphore, #tpu.memory_space<semaphore_mem>>)
      }
      %scan3A_365 = arith.constant 8 : i32
    }
    %scan3A_157 = arith.constant 26 : i32
    %dma_wait3A_158 = arith.constant 0 : i32
    %dma_wait3A_159 = arith.constant 0 : i32
    %dma_wait3A_160 = tpu.memref_slice %arg2[%dma_wait3A_158, %dma_wait3A_159] : memref<26x16384xi32, #tpu.memory_space<hbm>> -> memref<26x1024xi32, #tpu.memory_space<hbm>>
    %dma_wait3A_161 = arith.constant 0 : i32
    %dma_wait3A_162 = arith.constant 0 : i32
    %dma_wait3A_163 = tpu.memref_slice %arg2[%dma_wait3A_161, %dma_wait3A_162] : memref<26x16384xi32, #tpu.memory_space<hbm>> -> memref<26x1024xi32, #tpu.memory_space<hbm>>
    tpu.wait_dma2 semaphore(%arg9 : memref<!tpu.dma_semaphore, #tpu.memory_space<semaphore_mem>>) src(%dma_wait3A_163 : memref<26x1024xi32, #tpu.memory_space<hbm>>) dst(%arg6 : memref<26x1024xi32, #tpu.memory_space<vmem>>)
    %scan3A_164 = arith.constant 0 : i32
    %scan3A_165 = arith.constant 26 : i32
    %scan3A_166 = arith.addi %scan3A_164, %scan3A_165 : i32
    %scan3A_167 = arith.constant 1 : i32
    scf.for %scan3A_356 = %scan3A_164 to %scan3A_166 step %scan3A_167  : i32 {
      %mul3A_357 = arith.constant 1 : i32
      %mul3A_358 = arith.muli %scan3A_356, %mul3A_357 : i32
      %add3A_359 = arith.constant 0 : i32
      %add3A_360 = arith.addi %add3A_359, %mul3A_358 : i32
      %scan3A_361 = arith.constant 0 : i32
      %scan3A_362 = arith.constant 8 : i32
      %scan3A_363 = arith.addi %scan3A_361, %scan3A_362 : i32
      %scan3A_364 = arith.constant 1 : i32
      scf.for %scan3A_366 = %scan3A_361 to %scan3A_363 step %scan3A_364  : i32 {
        %mul3A_367 = arith.constant 1 : i32
        %mul3A_368 = arith.muli %scan3A_366, %mul3A_367 : i32
        %add3A_369 = arith.constant 0 : i32
        %add3A_370 = arith.addi %add3A_369, %mul3A_368 : i32
        %mul3A_371 = arith.constant 128 : i32
        %mul3A_372 = arith.muli %add3A_370, %mul3A_371 : i32
        %mul3A_373 = arith.constant 8 : i32
        %mul3A_374 = arith.muli %mul3A_373, %arg1 : i32
        %add3A_375 = arith.addi %mul3A_374, %add3A_370 : i32
        %dma_start3A_376 = arith.constant 3 : i32
        %dma_start3A_377 = tpu.memref_slice %arg6[%add3A_360, %mul3A_372] : memref<26x1024xi32, #tpu.memory_space<vmem>> -> memref<1x128xi32, #tpu.memory_space<vmem>>
        %dma_start3A_378 = tpu.memref_squeeze %dma_start3A_377 : memref<1x128xi32, #tpu.memory_space<vmem>> -> memref<128xi32, #tpu.memory_space<vmem>>
        %dma_start3A_379 = arith.constant 0 : i32
        %dma_start3A_380 = tpu.memref_slice %arg4[%add3A_360, %add3A_132, %add3A_375, %dma_start3A_376, %dma_start3A_379] : memref<26x4x128x4x128xi32, #tpu.memory_space<hbm>> -> memref<1x1x1x1x128xi32, #tpu.memory_space<hbm>>
        %dma_start3A_381 = tpu.memref_squeeze %dma_start3A_380 : memref<1x1x1x1x128xi32, #tpu.memory_space<hbm>> -> memref<128xi32, #tpu.memory_space<hbm>>
        %dma_start3A_382 = arith.constant 0 : i32
        %dma_start3A_383 = tpu.memref_slice %arg4[%add3A_360, %add3A_132, %add3A_375, %dma_start3A_376, %dma_start3A_382] : memref<26x4x128x4x128xi32, #tpu.memory_space<hbm>> -> memref<1x1x1x1x128xi32, #tpu.memory_space<hbm>>
        %dma_start3A_384 = tpu.memref_squeeze %dma_start3A_383 : memref<1x1x1x1x128xi32, #tpu.memory_space<hbm>> -> memref<128xi32, #tpu.memory_space<hbm>>
        %dma_start3A_385 = tpu.memref_slice %arg6[%add3A_360, %mul3A_372] : memref<26x1024xi32, #tpu.memory_space<vmem>> -> memref<1x128xi32, #tpu.memory_space<vmem>>
        %dma_start3A_386 = tpu.memref_squeeze %dma_start3A_385 : memref<1x128xi32, #tpu.memory_space<vmem>> -> memref<128xi32, #tpu.memory_space<vmem>>
        tpu.enqueue_dma source(%dma_start3A_386 : memref<128xi32, #tpu.memory_space<vmem>>) target(%dma_start3A_384 : memref<128xi32, #tpu.memory_space<hbm>>) target_semaphore(%arg10 : memref<!tpu.dma_semaphore, #tpu.memory_space<semaphore_mem>>)
      }
      %scan3A_365 = arith.constant 8 : i32
    }
    %scan3A_168 = arith.constant 26 : i32
    %barrier3A_169 = arith.constant 0 : index
    tpu.barrier barrier_id(%barrier3A_169)
    %mul3A_170 = arith.constant 8 : i32
    %mul3A_171 = arith.muli %arg0, %mul3A_170 : i32
    %add3A_172 = arith.constant 4 : i32
    %add3A_173 = arith.addi %mul3A_171, %add3A_172 : i32
    %mul3A_174 = arith.constant 2 : i32
    %mul3A_175 = arith.muli %arg0, %mul3A_174 : i32
    %add3A_176 = arith.constant 1 : i32
    %add3A_177 = arith.addi %mul3A_175, %add3A_176 : i32
    %mul3A_178 = arith.constant 1048576 : i32
    %mul3A_179 = arith.muli %add3A_173, %mul3A_178 : i32
    %mul3A_180 = arith.constant 65536 : i32
    %mul3A_181 = arith.muli %arg1, %mul3A_180 : i32
    %add3A_182 = arith.addi %mul3A_179, %mul3A_181 : i32
    %mul3A_183 = arith.constant 65536 : i32
    %mul3A_184 = arith.muli %arg1, %mul3A_183 : i32
    %dma_start3A_185 = tpu.memref_slice %arg7[%mul3A_184] : memref<1048576xi32, #tpu.memory_space<vmem_shared>> -> memref<65536xi32, #tpu.memory_space<vmem_shared>>
    %dma_start3A_186 = tpu.memref_slice %arg3[%add3A_182] : memref<16777216xi32, #tpu.memory_space<hbm>> -> memref<65536xi32, #tpu.memory_space<hbm>>
    tpu.enqueue_dma source(%dma_start3A_186 : memref<65536xi32, #tpu.memory_space<hbm>>) target(%dma_start3A_185 : memref<65536xi32, #tpu.memory_space<vmem_shared>>) target_semaphore(%arg8 : memref<!tpu.dma_semaphore, #tpu.memory_space<semaphore_mem>>)
    %dma_wait3A_187 = arith.constant 0 : i32
    %dma_wait3A_188 = tpu.memref_slice %arg7[%dma_wait3A_187] : memref<1048576xi32, #tpu.memory_space<vmem_shared>> -> memref<65536xi32, #tpu.memory_space<vmem_shared>>
    %dma_wait3A_189 = arith.constant 0 : i32
    %dma_wait3A_190 = tpu.memref_slice %arg3[%dma_wait3A_189] : memref<16777216xi32, #tpu.memory_space<hbm>> -> memref<65536xi32, #tpu.memory_space<hbm>>
    tpu.wait_dma2 semaphore(%arg8 : memref<!tpu.dma_semaphore, #tpu.memory_space<semaphore_mem>>) src(%dma_wait3A_190 : memref<65536xi32, #tpu.memory_space<hbm>>) dst(%dma_wait3A_188 : memref<65536xi32, #tpu.memory_space<vmem_shared>>)
    %barrier3A_191 = arith.constant 0 : index
    tpu.barrier barrier_id(%barrier3A_191)
    %dma_wait3A_192 = arith.constant 0 : i32
    %dma_wait3A_193 = arith.constant 0 : i32
    %dma_wait3A_194 = tpu.memref_slice %arg2[%dma_wait3A_192, %dma_wait3A_193] : memref<26x16384xi32, #tpu.memory_space<hbm>> -> memref<26x1024xi32, #tpu.memory_space<hbm>>
    %dma_wait3A_195 = arith.constant 0 : i32
    %dma_wait3A_196 = arith.constant 0 : i32
    %dma_wait3A_197 = tpu.memref_slice %arg2[%dma_wait3A_195, %dma_wait3A_196] : memref<26x16384xi32, #tpu.memory_space<hbm>> -> memref<26x1024xi32, #tpu.memory_space<hbm>>
    tpu.wait_dma2 semaphore(%arg10 : memref<!tpu.dma_semaphore, #tpu.memory_space<semaphore_mem>>) src(%dma_wait3A_197 : memref<26x1024xi32, #tpu.memory_space<hbm>>) dst(%arg6 : memref<26x1024xi32, #tpu.memory_space<vmem>>)
    %scan3A_198 = arith.constant 0 : i32
    %scan3A_199 = arith.constant 26 : i32
    %scan3A_200 = arith.addi %scan3A_198, %scan3A_199 : i32
    %scan3A_201 = arith.constant 1 : i32
    scf.for %scan3A_356 = %scan3A_198 to %scan3A_200 step %scan3A_201  : i32 {
      %mul3A_357 = arith.constant 1 : i32
      %mul3A_358 = arith.muli %scan3A_356, %mul3A_357 : i32
      %add3A_359 = arith.constant 0 : i32
      %add3A_360 = arith.addi %add3A_359, %mul3A_358 : i32
      %scan3A_361 = arith.constant 0 : i32
      %scan3A_362 = arith.constant 8 : i32
      %scan3A_363 = arith.addi %scan3A_361, %scan3A_362 : i32
      %scan3A_364 = arith.constant 1 : i32
      scf.for %scan3A_366 = %scan3A_361 to %scan3A_363 step %scan3A_364  : i32 {
        %mul3A_367 = arith.constant 1 : i32
        %mul3A_368 = arith.muli %scan3A_366, %mul3A_367 : i32
        %add3A_369 = arith.constant 0 : i32
        %add3A_370 = arith.addi %add3A_369, %mul3A_368 : i32
        %mul3A_371 = arith.constant 128 : i32
        %mul3A_372 = arith.muli %add3A_370, %mul3A_371 : i32
        %mul3A_373 = arith.constant 128 : i32
        %mul3A_374 = arith.muli %add3A_370, %mul3A_373 : i32
        %dma_start3A_375 = tpu.memref_slice %arg6[%add3A_360, %mul3A_374] : memref<26x1024xi32, #tpu.memory_space<vmem>> -> memref<1x128xi32, #tpu.memory_space<vmem>>
        %dma_start3A_376 = tpu.memref_squeeze %dma_start3A_375 : memref<1x128xi32, #tpu.memory_space<vmem>> -> memref<128xi32, #tpu.memory_space<vmem>>
        %dma_start3A_377 = tpu.memref_slice %arg5[%add3A_360, %mul3A_372] : memref<26x1024xi32, #tpu.memory_space<vmem>> -> memref<1x128xi32, #tpu.memory_space<vmem>>
        %dma_start3A_378 = tpu.memref_squeeze %dma_start3A_377 : memref<1x128xi32, #tpu.memory_space<vmem>> -> memref<128xi32, #tpu.memory_space<vmem>>
        %dma_start3A_379 = arith.constant 0 : i32
        %dma_start3A_380 = tpu.memref_slice %arg7[%dma_start3A_379] : memref<1048576xi32, #tpu.memory_space<vmem_shared>> -> memref<1048576xi32, #tpu.memory_space<vmem_shared>>
        tpu.enqueue_indirect_dma source(%dma_start3A_380 : memref<1048576xi32, #tpu.memory_space<vmem_shared>>) target(%dma_start3A_376 : memref<128xi32, #tpu.memory_space<vmem>>) offsets(%dma_start3A_378 : memref<128xi32, #tpu.memory_space<vmem>>) semaphore(%arg9 : memref<!tpu.dma_semaphore, #tpu.memory_space<semaphore_mem>>)
      }
      %scan3A_365 = arith.constant 8 : i32
    }
    %scan3A_202 = arith.constant 26 : i32
    %dma_wait3A_203 = arith.constant 0 : i32
    %dma_wait3A_204 = arith.constant 0 : i32
    %dma_wait3A_205 = tpu.memref_slice %arg2[%dma_wait3A_203, %dma_wait3A_204] : memref<26x16384xi32, #tpu.memory_space<hbm>> -> memref<26x1024xi32, #tpu.memory_space<hbm>>
    %dma_wait3A_206 = arith.constant 0 : i32
    %dma_wait3A_207 = arith.constant 0 : i32
    %dma_wait3A_208 = tpu.memref_slice %arg2[%dma_wait3A_206, %dma_wait3A_207] : memref<26x16384xi32, #tpu.memory_space<hbm>> -> memref<26x1024xi32, #tpu.memory_space<hbm>>
    tpu.wait_dma2 semaphore(%arg9 : memref<!tpu.dma_semaphore, #tpu.memory_space<semaphore_mem>>) src(%dma_wait3A_208 : memref<26x1024xi32, #tpu.memory_space<hbm>>) dst(%arg6 : memref<26x1024xi32, #tpu.memory_space<vmem>>)
    %scan3A_209 = arith.constant 0 : i32
    %scan3A_210 = arith.constant 26 : i32
    %scan3A_211 = arith.addi %scan3A_209, %scan3A_210 : i32
    %scan3A_212 = arith.constant 1 : i32
    scf.for %scan3A_356 = %scan3A_209 to %scan3A_211 step %scan3A_212  : i32 {
      %mul3A_357 = arith.constant 1 : i32
      %mul3A_358 = arith.muli %scan3A_356, %mul3A_357 : i32
      %add3A_359 = arith.constant 0 : i32
      %add3A_360 = arith.addi %add3A_359, %mul3A_358 : i32
      %scan3A_361 = arith.constant 0 : i32
      %scan3A_362 = arith.constant 8 : i32
      %scan3A_363 = arith.addi %scan3A_361, %scan3A_362 : i32
      %scan3A_364 = arith.constant 1 : i32
      scf.for %scan3A_366 = %scan3A_361 to %scan3A_363 step %scan3A_364  : i32 {
        %mul3A_367 = arith.constant 1 : i32
        %mul3A_368 = arith.muli %scan3A_366, %mul3A_367 : i32
        %add3A_369 = arith.constant 0 : i32
        %add3A_370 = arith.addi %add3A_369, %mul3A_368 : i32
        %mul3A_371 = arith.constant 128 : i32
        %mul3A_372 = arith.muli %add3A_370, %mul3A_371 : i32
        %mul3A_373 = arith.constant 8 : i32
        %mul3A_374 = arith.muli %mul3A_373, %arg1 : i32
        %add3A_375 = arith.addi %mul3A_374, %add3A_370 : i32
        %dma_start3A_376 = arith.constant 0 : i32
        %dma_start3A_377 = tpu.memref_slice %arg6[%add3A_360, %mul3A_372] : memref<26x1024xi32, #tpu.memory_space<vmem>> -> memref<1x128xi32, #tpu.memory_space<vmem>>
        %dma_start3A_378 = tpu.memref_squeeze %dma_start3A_377 : memref<1x128xi32, #tpu.memory_space<vmem>> -> memref<128xi32, #tpu.memory_space<vmem>>
        %dma_start3A_379 = arith.constant 0 : i32
        %dma_start3A_380 = tpu.memref_slice %arg4[%add3A_360, %add3A_177, %add3A_375, %dma_start3A_376, %dma_start3A_379] : memref<26x4x128x4x128xi32, #tpu.memory_space<hbm>> -> memref<1x1x1x1x128xi32, #tpu.memory_space<hbm>>
        %dma_start3A_381 = tpu.memref_squeeze %dma_start3A_380 : memref<1x1x1x1x128xi32, #tpu.memory_space<hbm>> -> memref<128xi32, #tpu.memory_space<hbm>>
        %dma_start3A_382 = arith.constant 0 : i32
        %dma_start3A_383 = tpu.memref_slice %arg4[%add3A_360, %add3A_177, %add3A_375, %dma_start3A_376, %dma_start3A_382] : memref<26x4x128x4x128xi32, #tpu.memory_space<hbm>> -> memref<1x1x1x1x128xi32, #tpu.memory_space<hbm>>
        %dma_start3A_384 = tpu.memref_squeeze %dma_start3A_383 : memref<1x1x1x1x128xi32, #tpu.memory_space<hbm>> -> memref<128xi32, #tpu.memory_space<hbm>>
        %dma_start3A_385 = tpu.memref_slice %arg6[%add3A_360, %mul3A_372] : memref<26x1024xi32, #tpu.memory_space<vmem>> -> memref<1x128xi32, #tpu.memory_space<vmem>>
        %dma_start3A_386 = tpu.memref_squeeze %dma_start3A_385 : memref<1x128xi32, #tpu.memory_space<vmem>> -> memref<128xi32, #tpu.memory_space<vmem>>
        tpu.enqueue_dma source(%dma_start3A_386 : memref<128xi32, #tpu.memory_space<vmem>>) target(%dma_start3A_384 : memref<128xi32, #tpu.memory_space<hbm>>) target_semaphore(%arg10 : memref<!tpu.dma_semaphore, #tpu.memory_space<semaphore_mem>>)
      }
      %scan3A_365 = arith.constant 8 : i32
    }
    %scan3A_213 = arith.constant 26 : i32
    %barrier3A_214 = arith.constant 0 : index
    tpu.barrier barrier_id(%barrier3A_214)
    %mul3A_215 = arith.constant 8 : i32
    %mul3A_216 = arith.muli %arg0, %mul3A_215 : i32
    %add3A_217 = arith.constant 5 : i32
    %add3A_218 = arith.addi %mul3A_216, %add3A_217 : i32
    %mul3A_219 = arith.constant 2 : i32
    %mul3A_220 = arith.muli %arg0, %mul3A_219 : i32
    %add3A_221 = arith.constant 1 : i32
    %add3A_222 = arith.addi %mul3A_220, %add3A_221 : i32
    %mul3A_223 = arith.constant 1048576 : i32
    %mul3A_224 = arith.muli %add3A_218, %mul3A_223 : i32
    %mul3A_225 = arith.constant 65536 : i32
    %mul3A_226 = arith.muli %arg1, %mul3A_225 : i32
    %add3A_227 = arith.addi %mul3A_224, %mul3A_226 : i32
    %mul3A_228 = arith.constant 65536 : i32
    %mul3A_229 = arith.muli %arg1, %mul3A_228 : i32
    %dma_start3A_230 = tpu.memref_slice %arg7[%mul3A_229] : memref<1048576xi32, #tpu.memory_space<vmem_shared>> -> memref<65536xi32, #tpu.memory_space<vmem_shared>>
    %dma_start3A_231 = tpu.memref_slice %arg3[%add3A_227] : memref<16777216xi32, #tpu.memory_space<hbm>> -> memref<65536xi32, #tpu.memory_space<hbm>>
    tpu.enqueue_dma source(%dma_start3A_231 : memref<65536xi32, #tpu.memory_space<hbm>>) target(%dma_start3A_230 : memref<65536xi32, #tpu.memory_space<vmem_shared>>) target_semaphore(%arg8 : memref<!tpu.dma_semaphore, #tpu.memory_space<semaphore_mem>>)
    %dma_wait3A_232 = arith.constant 0 : i32
    %dma_wait3A_233 = tpu.memref_slice %arg7[%dma_wait3A_232] : memref<1048576xi32, #tpu.memory_space<vmem_shared>> -> memref<65536xi32, #tpu.memory_space<vmem_shared>>
    %dma_wait3A_234 = arith.constant 0 : i32
    %dma_wait3A_235 = tpu.memref_slice %arg3[%dma_wait3A_234] : memref<16777216xi32, #tpu.memory_space<hbm>> -> memref<65536xi32, #tpu.memory_space<hbm>>
    tpu.wait_dma2 semaphore(%arg8 : memref<!tpu.dma_semaphore, #tpu.memory_space<semaphore_mem>>) src(%dma_wait3A_235 : memref<65536xi32, #tpu.memory_space<hbm>>) dst(%dma_wait3A_233 : memref<65536xi32, #tpu.memory_space<vmem_shared>>)
    %barrier3A_236 = arith.constant 0 : index
    tpu.barrier barrier_id(%barrier3A_236)
    %dma_wait3A_237 = arith.constant 0 : i32
    %dma_wait3A_238 = arith.constant 0 : i32
    %dma_wait3A_239 = tpu.memref_slice %arg2[%dma_wait3A_237, %dma_wait3A_238] : memref<26x16384xi32, #tpu.memory_space<hbm>> -> memref<26x1024xi32, #tpu.memory_space<hbm>>
    %dma_wait3A_240 = arith.constant 0 : i32
    %dma_wait3A_241 = arith.constant 0 : i32
    %dma_wait3A_242 = tpu.memref_slice %arg2[%dma_wait3A_240, %dma_wait3A_241] : memref<26x16384xi32, #tpu.memory_space<hbm>> -> memref<26x1024xi32, #tpu.memory_space<hbm>>
    tpu.wait_dma2 semaphore(%arg10 : memref<!tpu.dma_semaphore, #tpu.memory_space<semaphore_mem>>) src(%dma_wait3A_242 : memref<26x1024xi32, #tpu.memory_space<hbm>>) dst(%arg6 : memref<26x1024xi32, #tpu.memory_space<vmem>>)
    %scan3A_243 = arith.constant 0 : i32
    %scan3A_244 = arith.constant 26 : i32
    %scan3A_245 = arith.addi %scan3A_243, %scan3A_244 : i32
    %scan3A_246 = arith.constant 1 : i32
    scf.for %scan3A_356 = %scan3A_243 to %scan3A_245 step %scan3A_246  : i32 {
      %mul3A_357 = arith.constant 1 : i32
      %mul3A_358 = arith.muli %scan3A_356, %mul3A_357 : i32
      %add3A_359 = arith.constant 0 : i32
      %add3A_360 = arith.addi %add3A_359, %mul3A_358 : i32
      %scan3A_361 = arith.constant 0 : i32
      %scan3A_362 = arith.constant 8 : i32
      %scan3A_363 = arith.addi %scan3A_361, %scan3A_362 : i32
      %scan3A_364 = arith.constant 1 : i32
      scf.for %scan3A_366 = %scan3A_361 to %scan3A_363 step %scan3A_364  : i32 {
        %mul3A_367 = arith.constant 1 : i32
        %mul3A_368 = arith.muli %scan3A_366, %mul3A_367 : i32
        %add3A_369 = arith.constant 0 : i32
        %add3A_370 = arith.addi %add3A_369, %mul3A_368 : i32
        %mul3A_371 = arith.constant 128 : i32
        %mul3A_372 = arith.muli %add3A_370, %mul3A_371 : i32
        %mul3A_373 = arith.constant 128 : i32
        %mul3A_374 = arith.muli %add3A_370, %mul3A_373 : i32
        %dma_start3A_375 = tpu.memref_slice %arg6[%add3A_360, %mul3A_374] : memref<26x1024xi32, #tpu.memory_space<vmem>> -> memref<1x128xi32, #tpu.memory_space<vmem>>
        %dma_start3A_376 = tpu.memref_squeeze %dma_start3A_375 : memref<1x128xi32, #tpu.memory_space<vmem>> -> memref<128xi32, #tpu.memory_space<vmem>>
        %dma_start3A_377 = tpu.memref_slice %arg5[%add3A_360, %mul3A_372] : memref<26x1024xi32, #tpu.memory_space<vmem>> -> memref<1x128xi32, #tpu.memory_space<vmem>>
        %dma_start3A_378 = tpu.memref_squeeze %dma_start3A_377 : memref<1x128xi32, #tpu.memory_space<vmem>> -> memref<128xi32, #tpu.memory_space<vmem>>
        %dma_start3A_379 = arith.constant 0 : i32
        %dma_start3A_380 = tpu.memref_slice %arg7[%dma_start3A_379] : memref<1048576xi32, #tpu.memory_space<vmem_shared>> -> memref<1048576xi32, #tpu.memory_space<vmem_shared>>
        tpu.enqueue_indirect_dma source(%dma_start3A_380 : memref<1048576xi32, #tpu.memory_space<vmem_shared>>) target(%dma_start3A_376 : memref<128xi32, #tpu.memory_space<vmem>>) offsets(%dma_start3A_378 : memref<128xi32, #tpu.memory_space<vmem>>) semaphore(%arg9 : memref<!tpu.dma_semaphore, #tpu.memory_space<semaphore_mem>>)
      }
      %scan3A_365 = arith.constant 8 : i32
    }
    %scan3A_247 = arith.constant 26 : i32
    %dma_wait3A_248 = arith.constant 0 : i32
    %dma_wait3A_249 = arith.constant 0 : i32
    %dma_wait3A_250 = tpu.memref_slice %arg2[%dma_wait3A_248, %dma_wait3A_249] : memref<26x16384xi32, #tpu.memory_space<hbm>> -> memref<26x1024xi32, #tpu.memory_space<hbm>>
    %dma_wait3A_251 = arith.constant 0 : i32
    %dma_wait3A_252 = arith.constant 0 : i32
    %dma_wait3A_253 = tpu.memref_slice %arg2[%dma_wait3A_251, %dma_wait3A_252] : memref<26x16384xi32, #tpu.memory_space<hbm>> -> memref<26x1024xi32, #tpu.memory_space<hbm>>
    tpu.wait_dma2 semaphore(%arg9 : memref<!tpu.dma_semaphore, #tpu.memory_space<semaphore_mem>>) src(%dma_wait3A_253 : memref<26x1024xi32, #tpu.memory_space<hbm>>) dst(%arg6 : memref<26x1024xi32, #tpu.memory_space<vmem>>)
    %scan3A_254 = arith.constant 0 : i32
    %scan3A_255 = arith.constant 26 : i32
    %scan3A_256 = arith.addi %scan3A_254, %scan3A_255 : i32
    %scan3A_257 = arith.constant 1 : i32
    scf.for %scan3A_356 = %scan3A_254 to %scan3A_256 step %scan3A_257  : i32 {
      %mul3A_357 = arith.constant 1 : i32
      %mul3A_358 = arith.muli %scan3A_356, %mul3A_357 : i32
      %add3A_359 = arith.constant 0 : i32
      %add3A_360 = arith.addi %add3A_359, %mul3A_358 : i32
      %scan3A_361 = arith.constant 0 : i32
      %scan3A_362 = arith.constant 8 : i32
      %scan3A_363 = arith.addi %scan3A_361, %scan3A_362 : i32
      %scan3A_364 = arith.constant 1 : i32
      scf.for %scan3A_366 = %scan3A_361 to %scan3A_363 step %scan3A_364  : i32 {
        %mul3A_367 = arith.constant 1 : i32
        %mul3A_368 = arith.muli %scan3A_366, %mul3A_367 : i32
        %add3A_369 = arith.constant 0 : i32
        %add3A_370 = arith.addi %add3A_369, %mul3A_368 : i32
        %mul3A_371 = arith.constant 128 : i32
        %mul3A_372 = arith.muli %add3A_370, %mul3A_371 : i32
        %mul3A_373 = arith.constant 8 : i32
        %mul3A_374 = arith.muli %mul3A_373, %arg1 : i32
        %add3A_375 = arith.addi %mul3A_374, %add3A_370 : i32
        %dma_start3A_376 = arith.constant 1 : i32
        %dma_start3A_377 = tpu.memref_slice %arg6[%add3A_360, %mul3A_372] : memref<26x1024xi32, #tpu.memory_space<vmem>> -> memref<1x128xi32, #tpu.memory_space<vmem>>
        %dma_start3A_378 = tpu.memref_squeeze %dma_start3A_377 : memref<1x128xi32, #tpu.memory_space<vmem>> -> memref<128xi32, #tpu.memory_space<vmem>>
        %dma_start3A_379 = arith.constant 0 : i32
        %dma_start3A_380 = tpu.memref_slice %arg4[%add3A_360, %add3A_222, %add3A_375, %dma_start3A_376, %dma_start3A_379] : memref<26x4x128x4x128xi32, #tpu.memory_space<hbm>> -> memref<1x1x1x1x128xi32, #tpu.memory_space<hbm>>
        %dma_start3A_381 = tpu.memref_squeeze %dma_start3A_380 : memref<1x1x1x1x128xi32, #tpu.memory_space<hbm>> -> memref<128xi32, #tpu.memory_space<hbm>>
        %dma_start3A_382 = arith.constant 0 : i32
        %dma_start3A_383 = tpu.memref_slice %arg4[%add3A_360, %add3A_222, %add3A_375, %dma_start3A_376, %dma_start3A_382] : memref<26x4x128x4x128xi32, #tpu.memory_space<hbm>> -> memref<1x1x1x1x128xi32, #tpu.memory_space<hbm>>
        %dma_start3A_384 = tpu.memref_squeeze %dma_start3A_383 : memref<1x1x1x1x128xi32, #tpu.memory_space<hbm>> -> memref<128xi32, #tpu.memory_space<hbm>>
        %dma_start3A_385 = tpu.memref_slice %arg6[%add3A_360, %mul3A_372] : memref<26x1024xi32, #tpu.memory_space<vmem>> -> memref<1x128xi32, #tpu.memory_space<vmem>>
        %dma_start3A_386 = tpu.memref_squeeze %dma_start3A_385 : memref<1x128xi32, #tpu.memory_space<vmem>> -> memref<128xi32, #tpu.memory_space<vmem>>
        tpu.enqueue_dma source(%dma_start3A_386 : memref<128xi32, #tpu.memory_space<vmem>>) target(%dma_start3A_384 : memref<128xi32, #tpu.memory_space<hbm>>) target_semaphore(%arg10 : memref<!tpu.dma_semaphore, #tpu.memory_space<semaphore_mem>>)
      }
      %scan3A_365 = arith.constant 8 : i32
    }
    %scan3A_258 = arith.constant 26 : i32
    %barrier3A_259 = arith.constant 0 : index
    tpu.barrier barrier_id(%barrier3A_259)
    %mul3A_260 = arith.constant 8 : i32
    %mul3A_261 = arith.muli %arg0, %mul3A_260 : i32
    %add3A_262 = arith.constant 6 : i32
    %add3A_263 = arith.addi %mul3A_261, %add3A_262 : i32
    %mul3A_264 = arith.constant 2 : i32
    %mul3A_265 = arith.muli %arg0, %mul3A_264 : i32
    %add3A_266 = arith.constant 1 : i32
    %add3A_267 = arith.addi %mul3A_265, %add3A_266 : i32
    %mul3A_268 = arith.constant 1048576 : i32
    %mul3A_269 = arith.muli %add3A_263, %mul3A_268 : i32
    %mul3A_270 = arith.constant 65536 : i32
    %mul3A_271 = arith.muli %arg1, %mul3A_270 : i32
    %add3A_272 = arith.addi %mul3A_269, %mul3A_271 : i32
    %mul3A_273 = arith.constant 65536 : i32
    %mul3A_274 = arith.muli %arg1, %mul3A_273 : i32
    %dma_start3A_275 = tpu.memref_slice %arg7[%mul3A_274] : memref<1048576xi32, #tpu.memory_space<vmem_shared>> -> memref<65536xi32, #tpu.memory_space<vmem_shared>>
    %dma_start3A_276 = tpu.memref_slice %arg3[%add3A_272] : memref<16777216xi32, #tpu.memory_space<hbm>> -> memref<65536xi32, #tpu.memory_space<hbm>>
    tpu.enqueue_dma source(%dma_start3A_276 : memref<65536xi32, #tpu.memory_space<hbm>>) target(%dma_start3A_275 : memref<65536xi32, #tpu.memory_space<vmem_shared>>) target_semaphore(%arg8 : memref<!tpu.dma_semaphore, #tpu.memory_space<semaphore_mem>>)
    %dma_wait3A_277 = arith.constant 0 : i32
    %dma_wait3A_278 = tpu.memref_slice %arg7[%dma_wait3A_277] : memref<1048576xi32, #tpu.memory_space<vmem_shared>> -> memref<65536xi32, #tpu.memory_space<vmem_shared>>
    %dma_wait3A_279 = arith.constant 0 : i32
    %dma_wait3A_280 = tpu.memref_slice %arg3[%dma_wait3A_279] : memref<16777216xi32, #tpu.memory_space<hbm>> -> memref<65536xi32, #tpu.memory_space<hbm>>
    tpu.wait_dma2 semaphore(%arg8 : memref<!tpu.dma_semaphore, #tpu.memory_space<semaphore_mem>>) src(%dma_wait3A_280 : memref<65536xi32, #tpu.memory_space<hbm>>) dst(%dma_wait3A_278 : memref<65536xi32, #tpu.memory_space<vmem_shared>>)
    %barrier3A_281 = arith.constant 0 : index
    tpu.barrier barrier_id(%barrier3A_281)
    %dma_wait3A_282 = arith.constant 0 : i32
    %dma_wait3A_283 = arith.constant 0 : i32
    %dma_wait3A_284 = tpu.memref_slice %arg2[%dma_wait3A_282, %dma_wait3A_283] : memref<26x16384xi32, #tpu.memory_space<hbm>> -> memref<26x1024xi32, #tpu.memory_space<hbm>>
    %dma_wait3A_285 = arith.constant 0 : i32
    %dma_wait3A_286 = arith.constant 0 : i32
    %dma_wait3A_287 = tpu.memref_slice %arg2[%dma_wait3A_285, %dma_wait3A_286] : memref<26x16384xi32, #tpu.memory_space<hbm>> -> memref<26x1024xi32, #tpu.memory_space<hbm>>
    tpu.wait_dma2 semaphore(%arg10 : memref<!tpu.dma_semaphore, #tpu.memory_space<semaphore_mem>>) src(%dma_wait3A_287 : memref<26x1024xi32, #tpu.memory_space<hbm>>) dst(%arg6 : memref<26x1024xi32, #tpu.memory_space<vmem>>)
    %scan3A_288 = arith.constant 0 : i32
    %scan3A_289 = arith.constant 26 : i32
    %scan3A_290 = arith.addi %scan3A_288, %scan3A_289 : i32
    %scan3A_291 = arith.constant 1 : i32
    scf.for %scan3A_356 = %scan3A_288 to %scan3A_290 step %scan3A_291  : i32 {
      %mul3A_357 = arith.constant 1 : i32
      %mul3A_358 = arith.muli %scan3A_356, %mul3A_357 : i32
      %add3A_359 = arith.constant 0 : i32
      %add3A_360 = arith.addi %add3A_359, %mul3A_358 : i32
      %scan3A_361 = arith.constant 0 : i32
      %scan3A_362 = arith.constant 8 : i32
      %scan3A_363 = arith.addi %scan3A_361, %scan3A_362 : i32
      %scan3A_364 = arith.constant 1 : i32
      scf.for %scan3A_366 = %scan3A_361 to %scan3A_363 step %scan3A_364  : i32 {
        %mul3A_367 = arith.constant 1 : i32
        %mul3A_368 = arith.muli %scan3A_366, %mul3A_367 : i32
        %add3A_369 = arith.constant 0 : i32
        %add3A_370 = arith.addi %add3A_369, %mul3A_368 : i32
        %mul3A_371 = arith.constant 128 : i32
        %mul3A_372 = arith.muli %add3A_370, %mul3A_371 : i32
        %mul3A_373 = arith.constant 128 : i32
        %mul3A_374 = arith.muli %add3A_370, %mul3A_373 : i32
        %dma_start3A_375 = tpu.memref_slice %arg6[%add3A_360, %mul3A_374] : memref<26x1024xi32, #tpu.memory_space<vmem>> -> memref<1x128xi32, #tpu.memory_space<vmem>>
        %dma_start3A_376 = tpu.memref_squeeze %dma_start3A_375 : memref<1x128xi32, #tpu.memory_space<vmem>> -> memref<128xi32, #tpu.memory_space<vmem>>
        %dma_start3A_377 = tpu.memref_slice %arg5[%add3A_360, %mul3A_372] : memref<26x1024xi32, #tpu.memory_space<vmem>> -> memref<1x128xi32, #tpu.memory_space<vmem>>
        %dma_start3A_378 = tpu.memref_squeeze %dma_start3A_377 : memref<1x128xi32, #tpu.memory_space<vmem>> -> memref<128xi32, #tpu.memory_space<vmem>>
        %dma_start3A_379 = arith.constant 0 : i32
        %dma_start3A_380 = tpu.memref_slice %arg7[%dma_start3A_379] : memref<1048576xi32, #tpu.memory_space<vmem_shared>> -> memref<1048576xi32, #tpu.memory_space<vmem_shared>>
        tpu.enqueue_indirect_dma source(%dma_start3A_380 : memref<1048576xi32, #tpu.memory_space<vmem_shared>>) target(%dma_start3A_376 : memref<128xi32, #tpu.memory_space<vmem>>) offsets(%dma_start3A_378 : memref<128xi32, #tpu.memory_space<vmem>>) semaphore(%arg9 : memref<!tpu.dma_semaphore, #tpu.memory_space<semaphore_mem>>)
      }
      %scan3A_365 = arith.constant 8 : i32
    }
    %scan3A_292 = arith.constant 26 : i32
    %dma_wait3A_293 = arith.constant 0 : i32
    %dma_wait3A_294 = arith.constant 0 : i32
    %dma_wait3A_295 = tpu.memref_slice %arg2[%dma_wait3A_293, %dma_wait3A_294] : memref<26x16384xi32, #tpu.memory_space<hbm>> -> memref<26x1024xi32, #tpu.memory_space<hbm>>
    %dma_wait3A_296 = arith.constant 0 : i32
    %dma_wait3A_297 = arith.constant 0 : i32
    %dma_wait3A_298 = tpu.memref_slice %arg2[%dma_wait3A_296, %dma_wait3A_297] : memref<26x16384xi32, #tpu.memory_space<hbm>> -> memref<26x1024xi32, #tpu.memory_space<hbm>>
    tpu.wait_dma2 semaphore(%arg9 : memref<!tpu.dma_semaphore, #tpu.memory_space<semaphore_mem>>) src(%dma_wait3A_298 : memref<26x1024xi32, #tpu.memory_space<hbm>>) dst(%arg6 : memref<26x1024xi32, #tpu.memory_space<vmem>>)
    %scan3A_299 = arith.constant 0 : i32
    %scan3A_300 = arith.constant 26 : i32
    %scan3A_301 = arith.addi %scan3A_299, %scan3A_300 : i32
    %scan3A_302 = arith.constant 1 : i32
    scf.for %scan3A_356 = %scan3A_299 to %scan3A_301 step %scan3A_302  : i32 {
      %mul3A_357 = arith.constant 1 : i32
      %mul3A_358 = arith.muli %scan3A_356, %mul3A_357 : i32
      %add3A_359 = arith.constant 0 : i32
      %add3A_360 = arith.addi %add3A_359, %mul3A_358 : i32
      %scan3A_361 = arith.constant 0 : i32
      %scan3A_362 = arith.constant 8 : i32
      %scan3A_363 = arith.addi %scan3A_361, %scan3A_362 : i32
      %scan3A_364 = arith.constant 1 : i32
      scf.for %scan3A_366 = %scan3A_361 to %scan3A_363 step %scan3A_364  : i32 {
        %mul3A_367 = arith.constant 1 : i32
        %mul3A_368 = arith.muli %scan3A_366, %mul3A_367 : i32
        %add3A_369 = arith.constant 0 : i32
        %add3A_370 = arith.addi %add3A_369, %mul3A_368 : i32
        %mul3A_371 = arith.constant 128 : i32
        %mul3A_372 = arith.muli %add3A_370, %mul3A_371 : i32
        %mul3A_373 = arith.constant 8 : i32
        %mul3A_374 = arith.muli %mul3A_373, %arg1 : i32
        %add3A_375 = arith.addi %mul3A_374, %add3A_370 : i32
        %dma_start3A_376 = arith.constant 2 : i32
        %dma_start3A_377 = tpu.memref_slice %arg6[%add3A_360, %mul3A_372] : memref<26x1024xi32, #tpu.memory_space<vmem>> -> memref<1x128xi32, #tpu.memory_space<vmem>>
        %dma_start3A_378 = tpu.memref_squeeze %dma_start3A_377 : memref<1x128xi32, #tpu.memory_space<vmem>> -> memref<128xi32, #tpu.memory_space<vmem>>
        %dma_start3A_379 = arith.constant 0 : i32
        %dma_start3A_380 = tpu.memref_slice %arg4[%add3A_360, %add3A_267, %add3A_375, %dma_start3A_376, %dma_start3A_379] : memref<26x4x128x4x128xi32, #tpu.memory_space<hbm>> -> memref<1x1x1x1x128xi32, #tpu.memory_space<hbm>>
        %dma_start3A_381 = tpu.memref_squeeze %dma_start3A_380 : memref<1x1x1x1x128xi32, #tpu.memory_space<hbm>> -> memref<128xi32, #tpu.memory_space<hbm>>
        %dma_start3A_382 = arith.constant 0 : i32
        %dma_start3A_383 = tpu.memref_slice %arg4[%add3A_360, %add3A_267, %add3A_375, %dma_start3A_376, %dma_start3A_382] : memref<26x4x128x4x128xi32, #tpu.memory_space<hbm>> -> memref<1x1x1x1x128xi32, #tpu.memory_space<hbm>>
        %dma_start3A_384 = tpu.memref_squeeze %dma_start3A_383 : memref<1x1x1x1x128xi32, #tpu.memory_space<hbm>> -> memref<128xi32, #tpu.memory_space<hbm>>
        %dma_start3A_385 = tpu.memref_slice %arg6[%add3A_360, %mul3A_372] : memref<26x1024xi32, #tpu.memory_space<vmem>> -> memref<1x128xi32, #tpu.memory_space<vmem>>
        %dma_start3A_386 = tpu.memref_squeeze %dma_start3A_385 : memref<1x128xi32, #tpu.memory_space<vmem>> -> memref<128xi32, #tpu.memory_space<vmem>>
        tpu.enqueue_dma source(%dma_start3A_386 : memref<128xi32, #tpu.memory_space<vmem>>) target(%dma_start3A_384 : memref<128xi32, #tpu.memory_space<hbm>>) target_semaphore(%arg10 : memref<!tpu.dma_semaphore, #tpu.memory_space<semaphore_mem>>)
      }
      %scan3A_365 = arith.constant 8 : i32
    }
    %scan3A_303 = arith.constant 26 : i32
    %barrier3A_304 = arith.constant 0 : index
    tpu.barrier barrier_id(%barrier3A_304)
    %mul3A_305 = arith.constant 8 : i32
    %mul3A_306 = arith.muli %arg0, %mul3A_305 : i32
    %add3A_307 = arith.constant 7 : i32
    %add3A_308 = arith.addi %mul3A_306, %add3A_307 : i32
    %mul3A_309 = arith.constant 2 : i32
    %mul3A_310 = arith.muli %arg0, %mul3A_309 : i32
    %add3A_311 = arith.constant 1 : i32
    %add3A_312 = arith.addi %mul3A_310, %add3A_311 : i32
    %mul3A_313 = arith.constant 1048576 : i32
    %mul3A_314 = arith.muli %add3A_308, %mul3A_313 : i32
    %mul3A_315 = arith.constant 65536 : i32
    %mul3A_316 = arith.muli %arg1, %mul3A_315 : i32
    %add3A_317 = arith.addi %mul3A_314, %mul3A_316 : i32
    %mul3A_318 = arith.constant 65536 : i32
    %mul3A_319 = arith.muli %arg1, %mul3A_318 : i32
    %dma_start3A_320 = tpu.memref_slice %arg7[%mul3A_319] : memref<1048576xi32, #tpu.memory_space<vmem_shared>> -> memref<65536xi32, #tpu.memory_space<vmem_shared>>
    %dma_start3A_321 = tpu.memref_slice %arg3[%add3A_317] : memref<16777216xi32, #tpu.memory_space<hbm>> -> memref<65536xi32, #tpu.memory_space<hbm>>
    tpu.enqueue_dma source(%dma_start3A_321 : memref<65536xi32, #tpu.memory_space<hbm>>) target(%dma_start3A_320 : memref<65536xi32, #tpu.memory_space<vmem_shared>>) target_semaphore(%arg8 : memref<!tpu.dma_semaphore, #tpu.memory_space<semaphore_mem>>)
    %dma_wait3A_322 = arith.constant 0 : i32
    %dma_wait3A_323 = tpu.memref_slice %arg7[%dma_wait3A_322] : memref<1048576xi32, #tpu.memory_space<vmem_shared>> -> memref<65536xi32, #tpu.memory_space<vmem_shared>>
    %dma_wait3A_324 = arith.constant 0 : i32
    %dma_wait3A_325 = tpu.memref_slice %arg3[%dma_wait3A_324] : memref<16777216xi32, #tpu.memory_space<hbm>> -> memref<65536xi32, #tpu.memory_space<hbm>>
    tpu.wait_dma2 semaphore(%arg8 : memref<!tpu.dma_semaphore, #tpu.memory_space<semaphore_mem>>) src(%dma_wait3A_325 : memref<65536xi32, #tpu.memory_space<hbm>>) dst(%dma_wait3A_323 : memref<65536xi32, #tpu.memory_space<vmem_shared>>)
    %barrier3A_326 = arith.constant 0 : index
    tpu.barrier barrier_id(%barrier3A_326)
    %dma_wait3A_327 = arith.constant 0 : i32
    %dma_wait3A_328 = arith.constant 0 : i32
    %dma_wait3A_329 = tpu.memref_slice %arg2[%dma_wait3A_327, %dma_wait3A_328] : memref<26x16384xi32, #tpu.memory_space<hbm>> -> memref<26x1024xi32, #tpu.memory_space<hbm>>
    %dma_wait3A_330 = arith.constant 0 : i32
    %dma_wait3A_331 = arith.constant 0 : i32
    %dma_wait3A_332 = tpu.memref_slice %arg2[%dma_wait3A_330, %dma_wait3A_331] : memref<26x16384xi32, #tpu.memory_space<hbm>> -> memref<26x1024xi32, #tpu.memory_space<hbm>>
    tpu.wait_dma2 semaphore(%arg10 : memref<!tpu.dma_semaphore, #tpu.memory_space<semaphore_mem>>) src(%dma_wait3A_332 : memref<26x1024xi32, #tpu.memory_space<hbm>>) dst(%arg6 : memref<26x1024xi32, #tpu.memory_space<vmem>>)
    %scan3A_333 = arith.constant 0 : i32
    %scan3A_334 = arith.constant 26 : i32
    %scan3A_335 = arith.addi %scan3A_333, %scan3A_334 : i32
    %scan3A_336 = arith.constant 1 : i32
    scf.for %scan3A_356 = %scan3A_333 to %scan3A_335 step %scan3A_336  : i32 {
      %mul3A_357 = arith.constant 1 : i32
      %mul3A_358 = arith.muli %scan3A_356, %mul3A_357 : i32
      %add3A_359 = arith.constant 0 : i32
      %add3A_360 = arith.addi %add3A_359, %mul3A_358 : i32
      %scan3A_361 = arith.constant 0 : i32
      %scan3A_362 = arith.constant 8 : i32
      %scan3A_363 = arith.addi %scan3A_361, %scan3A_362 : i32
      %scan3A_364 = arith.constant 1 : i32
      scf.for %scan3A_366 = %scan3A_361 to %scan3A_363 step %scan3A_364  : i32 {
        %mul3A_367 = arith.constant 1 : i32
        %mul3A_368 = arith.muli %scan3A_366, %mul3A_367 : i32
        %add3A_369 = arith.constant 0 : i32
        %add3A_370 = arith.addi %add3A_369, %mul3A_368 : i32
        %mul3A_371 = arith.constant 128 : i32
        %mul3A_372 = arith.muli %add3A_370, %mul3A_371 : i32
        %mul3A_373 = arith.constant 128 : i32
        %mul3A_374 = arith.muli %add3A_370, %mul3A_373 : i32
        %dma_start3A_375 = tpu.memref_slice %arg6[%add3A_360, %mul3A_374] : memref<26x1024xi32, #tpu.memory_space<vmem>> -> memref<1x128xi32, #tpu.memory_space<vmem>>
        %dma_start3A_376 = tpu.memref_squeeze %dma_start3A_375 : memref<1x128xi32, #tpu.memory_space<vmem>> -> memref<128xi32, #tpu.memory_space<vmem>>
        %dma_start3A_377 = tpu.memref_slice %arg5[%add3A_360, %mul3A_372] : memref<26x1024xi32, #tpu.memory_space<vmem>> -> memref<1x128xi32, #tpu.memory_space<vmem>>
        %dma_start3A_378 = tpu.memref_squeeze %dma_start3A_377 : memref<1x128xi32, #tpu.memory_space<vmem>> -> memref<128xi32, #tpu.memory_space<vmem>>
        %dma_start3A_379 = arith.constant 0 : i32
        %dma_start3A_380 = tpu.memref_slice %arg7[%dma_start3A_379] : memref<1048576xi32, #tpu.memory_space<vmem_shared>> -> memref<1048576xi32, #tpu.memory_space<vmem_shared>>
        tpu.enqueue_indirect_dma source(%dma_start3A_380 : memref<1048576xi32, #tpu.memory_space<vmem_shared>>) target(%dma_start3A_376 : memref<128xi32, #tpu.memory_space<vmem>>) offsets(%dma_start3A_378 : memref<128xi32, #tpu.memory_space<vmem>>) semaphore(%arg9 : memref<!tpu.dma_semaphore, #tpu.memory_space<semaphore_mem>>)
      }
      %scan3A_365 = arith.constant 8 : i32
    }
    %scan3A_337 = arith.constant 26 : i32
    %dma_wait3A_338 = arith.constant 0 : i32
    %dma_wait3A_339 = arith.constant 0 : i32
    %dma_wait3A_340 = tpu.memref_slice %arg2[%dma_wait3A_338, %dma_wait3A_339] : memref<26x16384xi32, #tpu.memory_space<hbm>> -> memref<26x1024xi32, #tpu.memory_space<hbm>>
    %dma_wait3A_341 = arith.constant 0 : i32
    %dma_wait3A_342 = arith.constant 0 : i32
    %dma_wait3A_343 = tpu.memref_slice %arg2[%dma_wait3A_341, %dma_wait3A_342] : memref<26x16384xi32, #tpu.memory_space<hbm>> -> memref<26x1024xi32, #tpu.memory_space<hbm>>
    tpu.wait_dma2 semaphore(%arg9 : memref<!tpu.dma_semaphore, #tpu.memory_space<semaphore_mem>>) src(%dma_wait3A_343 : memref<26x1024xi32, #tpu.memory_space<hbm>>) dst(%arg6 : memref<26x1024xi32, #tpu.memory_space<vmem>>)
    %scan3A_344 = arith.constant 0 : i32
    %scan3A_345 = arith.constant 26 : i32
    %scan3A_346 = arith.addi %scan3A_344, %scan3A_345 : i32
    %scan3A_347 = arith.constant 1 : i32
    scf.for %scan3A_356 = %scan3A_344 to %scan3A_346 step %scan3A_347  : i32 {
      %mul3A_357 = arith.constant 1 : i32
      %mul3A_358 = arith.muli %scan3A_356, %mul3A_357 : i32
      %add3A_359 = arith.constant 0 : i32
      %add3A_360 = arith.addi %add3A_359, %mul3A_358 : i32
      %scan3A_361 = arith.constant 0 : i32
      %scan3A_362 = arith.constant 8 : i32
      %scan3A_363 = arith.addi %scan3A_361, %scan3A_362 : i32
      %scan3A_364 = arith.constant 1 : i32
      scf.for %scan3A_366 = %scan3A_361 to %scan3A_363 step %scan3A_364  : i32 {
        %mul3A_367 = arith.constant 1 : i32
        %mul3A_368 = arith.muli %scan3A_366, %mul3A_367 : i32
        %add3A_369 = arith.constant 0 : i32
        %add3A_370 = arith.addi %add3A_369, %mul3A_368 : i32
        %mul3A_371 = arith.constant 128 : i32
        %mul3A_372 = arith.muli %add3A_370, %mul3A_371 : i32
        %mul3A_373 = arith.constant 8 : i32
        %mul3A_374 = arith.muli %mul3A_373, %arg1 : i32
        %add3A_375 = arith.addi %mul3A_374, %add3A_370 : i32
        %dma_start3A_376 = arith.constant 3 : i32
        %dma_start3A_377 = tpu.memref_slice %arg6[%add3A_360, %mul3A_372] : memref<26x1024xi32, #tpu.memory_space<vmem>> -> memref<1x128xi32, #tpu.memory_space<vmem>>
        %dma_start3A_378 = tpu.memref_squeeze %dma_start3A_377 : memref<1x128xi32, #tpu.memory_space<vmem>> -> memref<128xi32, #tpu.memory_space<vmem>>
        %dma_start3A_379 = arith.constant 0 : i32
        %dma_start3A_380 = tpu.memref_slice %arg4[%add3A_360, %add3A_312, %add3A_375, %dma_start3A_376, %dma_start3A_379] : memref<26x4x128x4x128xi32, #tpu.memory_space<hbm>> -> memref<1x1x1x1x128xi32, #tpu.memory_space<hbm>>
        %dma_start3A_381 = tpu.memref_squeeze %dma_start3A_380 : memref<1x1x1x1x128xi32, #tpu.memory_space<hbm>> -> memref<128xi32, #tpu.memory_space<hbm>>
        %dma_start3A_382 = arith.constant 0 : i32
        %dma_start3A_383 = tpu.memref_slice %arg4[%add3A_360, %add3A_312, %add3A_375, %dma_start3A_376, %dma_start3A_382] : memref<26x4x128x4x128xi32, #tpu.memory_space<hbm>> -> memref<1x1x1x1x128xi32, #tpu.memory_space<hbm>>
        %dma_start3A_384 = tpu.memref_squeeze %dma_start3A_383 : memref<1x1x1x1x128xi32, #tpu.memory_space<hbm>> -> memref<128xi32, #tpu.memory_space<hbm>>
        %dma_start3A_385 = tpu.memref_slice %arg6[%add3A_360, %mul3A_372] : memref<26x1024xi32, #tpu.memory_space<vmem>> -> memref<1x128xi32, #tpu.memory_space<vmem>>
        %dma_start3A_386 = tpu.memref_squeeze %dma_start3A_385 : memref<1x128xi32, #tpu.memory_space<vmem>> -> memref<128xi32, #tpu.memory_space<vmem>>
        tpu.enqueue_dma source(%dma_start3A_386 : memref<128xi32, #tpu.memory_space<vmem>>) target(%dma_start3A_384 : memref<128xi32, #tpu.memory_space<hbm>>) target_semaphore(%arg10 : memref<!tpu.dma_semaphore, #tpu.memory_space<semaphore_mem>>)
      }
      %scan3A_365 = arith.constant 8 : i32
    }
    %scan3A_348 = arith.constant 26 : i32
    %barrier3A_349 = arith.constant 0 : index
    tpu.barrier barrier_id(%barrier3A_349)
    %dma_wait3A_350 = arith.constant 0 : i32
    %dma_wait3A_351 = arith.constant 0 : i32
    %dma_wait3A_352 = tpu.memref_slice %arg2[%dma_wait3A_350, %dma_wait3A_351] : memref<26x16384xi32, #tpu.memory_space<hbm>> -> memref<26x1024xi32, #tpu.memory_space<hbm>>
    %dma_wait3A_353 = arith.constant 0 : i32
    %dma_wait3A_354 = arith.constant 0 : i32
    %dma_wait3A_355 = tpu.memref_slice %arg2[%dma_wait3A_353, %dma_wait3A_354] : memref<26x16384xi32, #tpu.memory_space<hbm>> -> memref<26x1024xi32, #tpu.memory_space<hbm>>
    tpu.wait_dma2 semaphore(%arg10 : memref<!tpu.dma_semaphore, #tpu.memory_space<semaphore_mem>>) src(%dma_wait3A_355 : memref<26x1024xi32, #tpu.memory_space<hbm>>) dst(%arg6 : memref<26x1024xi32, #tpu.memory_space<vmem>>)
    return
  }
}

module attributes {stable_mosaic.version = 14 : i64} {
  func.func @body(%arg0: i32, %arg1: i32, %arg2: memref<8x65536xf32, #tpu.memory_space<vmem>>, %arg3: memref<4x512x128xi32, #tpu.memory_space<vmem>>) attributes {dimension_semantics = [#tpu.dimension_semantics<arbitrary>, #tpu.dimension_semantics<arbitrary>], iteration_bounds = array<i64: 4, 16>, scalar_prefetch = 0 : i64, scratch_operands = 0 : i64, tpu.core_type = #tpu.core_type<tc>, window_params = [{transform_indices = @transform_0, window_bounds = array<i64: 8, 65536>}, {transform_indices = @transform_1, window_bounds = array<i64: 4, 512, 128>}]} {
    %get3A = arith.constant 0 : index
    %get3A_0 = arith.constant 0 : index
    %get3A_1 = vector.load %arg2[%get3A, %get3A_0] : memref<8x65536xf32, #tpu.memory_space<vmem>>, vector<1x65536xf32>
    %get3A_2 = vector.shape_cast %get3A_1 : vector<1x65536xf32> to vector<65536xf32>
    %reshape3A = vector.shape_cast %get3A_2 : vector<65536xf32> to vector<512x128xf32>
    %get3A_3 = arith.constant 1 : index
    %get3A_4 = arith.constant 0 : index
    %get3A_5 = vector.load %arg2[%get3A_3, %get3A_4] : memref<8x65536xf32, #tpu.memory_space<vmem>>, vector<1x65536xf32>
    %get3A_6 = vector.shape_cast %get3A_5 : vector<1x65536xf32> to vector<65536xf32>
    %reshape3A_7 = vector.shape_cast %get3A_6 : vector<65536xf32> to vector<512x128xf32>
    %convert_element_type3A = arith.truncf %reshape3A : vector<512x128xf32> to vector<512x128xbf16>
    %bitcast_convert_type3A = tpu.bitcast %convert_element_type3A : vector<512x128xbf16> -> vector<512x128xi16>
    %convert_element_type3A_8 = arith.truncf %reshape3A_7 : vector<512x128xf32> to vector<512x128xbf16>
    %bitcast_convert_type3A_9 = tpu.bitcast %convert_element_type3A_8 : vector<512x128xbf16> -> vector<512x128xi16>
    %convert_element_type3A_10 = arith.extui %bitcast_convert_type3A : vector<512x128xi16> to vector<512x128xi32>
    %convert_element_type3A_11 = arith.extui %bitcast_convert_type3A_9 : vector<512x128xi16> to vector<512x128xi32>
    %shift_left3A = arith.constant 16 : i32
    %shift_left3A_12 = vector.broadcast %shift_left3A : i32 to vector<512x128xi32>
    %shift_left3A_13 = arith.shli %convert_element_type3A_11, %shift_left3A_12 : vector<512x128xi32>
    %or3A = arith.ori %convert_element_type3A_10, %shift_left3A_13 : vector<512x128xi32>
    %swap3A = arith.constant 0 : index
    %swap3A_14 = arith.constant 0 : index
    %swap3A_15 = arith.constant 0 : index
    %swap3A_16 = vector.load %arg3[%swap3A, %swap3A_14, %swap3A_15] : memref<4x512x128xi32, #tpu.memory_space<vmem>>, vector<1x512x128xi32>
    %swap3A_17 = vector.shape_cast %swap3A_16 : vector<1x512x128xi32> to vector<512x128xi32>
    %swap3A_18 = vector.shape_cast %or3A : vector<512x128xi32> to vector<1x512x128xi32>
    tpu.vector_store %arg3[%swap3A, %swap3A_14, %swap3A_15], %swap3A_18 {strides = array<i32>} : memref<4x512x128xi32, #tpu.memory_space<vmem>>, vector<1x512x128xi32>,
    %get3A_19 = arith.constant 2 : index
    %get3A_20 = arith.constant 0 : index
    %get3A_21 = vector.load %arg2[%get3A_19, %get3A_20] : memref<8x65536xf32, #tpu.memory_space<vmem>>, vector<1x65536xf32>
    %get3A_22 = vector.shape_cast %get3A_21 : vector<1x65536xf32> to vector<65536xf32>
    %reshape3A_23 = vector.shape_cast %get3A_22 : vector<65536xf32> to vector<512x128xf32>
    %get3A_24 = arith.constant 3 : index
    %get3A_25 = arith.constant 0 : index
    %get3A_26 = vector.load %arg2[%get3A_24, %get3A_25] : memref<8x65536xf32, #tpu.memory_space<vmem>>, vector<1x65536xf32>
    %get3A_27 = vector.shape_cast %get3A_26 : vector<1x65536xf32> to vector<65536xf32>
    %reshape3A_28 = vector.shape_cast %get3A_27 : vector<65536xf32> to vector<512x128xf32>
    %convert_element_type3A_29 = arith.truncf %reshape3A_23 : vector<512x128xf32> to vector<512x128xbf16>
    %bitcast_convert_type3A_30 = tpu.bitcast %convert_element_type3A_29 : vector<512x128xbf16> -> vector<512x128xi16>
    %convert_element_type3A_31 = arith.truncf %reshape3A_28 : vector<512x128xf32> to vector<512x128xbf16>
    %bitcast_convert_type3A_32 = tpu.bitcast %convert_element_type3A_31 : vector<512x128xbf16> -> vector<512x128xi16>
    %convert_element_type3A_33 = arith.extui %bitcast_convert_type3A_30 : vector<512x128xi16> to vector<512x128xi32>
    %convert_element_type3A_34 = arith.extui %bitcast_convert_type3A_32 : vector<512x128xi16> to vector<512x128xi32>
    %shift_left3A_35 = arith.constant 16 : i32
    %shift_left3A_36 = vector.broadcast %shift_left3A_35 : i32 to vector<512x128xi32>
    %shift_left3A_37 = arith.shli %convert_element_type3A_34, %shift_left3A_36 : vector<512x128xi32>
    %or3A_38 = arith.ori %convert_element_type3A_33, %shift_left3A_37 : vector<512x128xi32>
    %swap3A_39 = arith.constant 1 : index
    %swap3A_40 = arith.constant 0 : index
    %swap3A_41 = arith.constant 0 : index
    %swap3A_42 = vector.load %arg3[%swap3A_39, %swap3A_40, %swap3A_41] : memref<4x512x128xi32, #tpu.memory_space<vmem>>, vector<1x512x128xi32>
    %swap3A_43 = vector.shape_cast %swap3A_42 : vector<1x512x128xi32> to vector<512x128xi32>
    %swap3A_44 = vector.shape_cast %or3A_38 : vector<512x128xi32> to vector<1x512x128xi32>
    tpu.vector_store %arg3[%swap3A_39, %swap3A_40, %swap3A_41], %swap3A_44 {strides = array<i32>} : memref<4x512x128xi32, #tpu.memory_space<vmem>>, vector<1x512x128xi32>,
    %get3A_45 = arith.constant 4 : index
    %get3A_46 = arith.constant 0 : index
    %get3A_47 = vector.load %arg2[%get3A_45, %get3A_46] : memref<8x65536xf32, #tpu.memory_space<vmem>>, vector<1x65536xf32>
    %get3A_48 = vector.shape_cast %get3A_47 : vector<1x65536xf32> to vector<65536xf32>
    %reshape3A_49 = vector.shape_cast %get3A_48 : vector<65536xf32> to vector<512x128xf32>
    %get3A_50 = arith.constant 5 : index
    %get3A_51 = arith.constant 0 : index
    %get3A_52 = vector.load %arg2[%get3A_50, %get3A_51] : memref<8x65536xf32, #tpu.memory_space<vmem>>, vector<1x65536xf32>
    %get3A_53 = vector.shape_cast %get3A_52 : vector<1x65536xf32> to vector<65536xf32>
    %reshape3A_54 = vector.shape_cast %get3A_53 : vector<65536xf32> to vector<512x128xf32>
    %convert_element_type3A_55 = arith.truncf %reshape3A_49 : vector<512x128xf32> to vector<512x128xbf16>
    %bitcast_convert_type3A_56 = tpu.bitcast %convert_element_type3A_55 : vector<512x128xbf16> -> vector<512x128xi16>
    %convert_element_type3A_57 = arith.truncf %reshape3A_54 : vector<512x128xf32> to vector<512x128xbf16>
    %bitcast_convert_type3A_58 = tpu.bitcast %convert_element_type3A_57 : vector<512x128xbf16> -> vector<512x128xi16>
    %convert_element_type3A_59 = arith.extui %bitcast_convert_type3A_56 : vector<512x128xi16> to vector<512x128xi32>
    %convert_element_type3A_60 = arith.extui %bitcast_convert_type3A_58 : vector<512x128xi16> to vector<512x128xi32>
    %shift_left3A_61 = arith.constant 16 : i32
    %shift_left3A_62 = vector.broadcast %shift_left3A_61 : i32 to vector<512x128xi32>
    %shift_left3A_63 = arith.shli %convert_element_type3A_60, %shift_left3A_62 : vector<512x128xi32>
    %or3A_64 = arith.ori %convert_element_type3A_59, %shift_left3A_63 : vector<512x128xi32>
    %swap3A_65 = arith.constant 2 : index
    %swap3A_66 = arith.constant 0 : index
    %swap3A_67 = arith.constant 0 : index
    %swap3A_68 = vector.load %arg3[%swap3A_65, %swap3A_66, %swap3A_67] : memref<4x512x128xi32, #tpu.memory_space<vmem>>, vector<1x512x128xi32>
    %swap3A_69 = vector.shape_cast %swap3A_68 : vector<1x512x128xi32> to vector<512x128xi32>
    %swap3A_70 = vector.shape_cast %or3A_64 : vector<512x128xi32> to vector<1x512x128xi32>
    tpu.vector_store %arg3[%swap3A_65, %swap3A_66, %swap3A_67], %swap3A_70 {strides = array<i32>} : memref<4x512x128xi32, #tpu.memory_space<vmem>>, vector<1x512x128xi32>,
    %get3A_71 = arith.constant 6 : index
    %get3A_72 = arith.constant 0 : index
    %get3A_73 = vector.load %arg2[%get3A_71, %get3A_72] : memref<8x65536xf32, #tpu.memory_space<vmem>>, vector<1x65536xf32>
    %get3A_74 = vector.shape_cast %get3A_73 : vector<1x65536xf32> to vector<65536xf32>
    %reshape3A_75 = vector.shape_cast %get3A_74 : vector<65536xf32> to vector<512x128xf32>
    %get3A_76 = arith.constant 7 : index
    %get3A_77 = arith.constant 0 : index
    %get3A_78 = vector.load %arg2[%get3A_76, %get3A_77] : memref<8x65536xf32, #tpu.memory_space<vmem>>, vector<1x65536xf32>
    %get3A_79 = vector.shape_cast %get3A_78 : vector<1x65536xf32> to vector<65536xf32>
    %reshape3A_80 = vector.shape_cast %get3A_79 : vector<65536xf32> to vector<512x128xf32>
    %convert_element_type3A_81 = arith.truncf %reshape3A_75 : vector<512x128xf32> to vector<512x128xbf16>
    %bitcast_convert_type3A_82 = tpu.bitcast %convert_element_type3A_81 : vector<512x128xbf16> -> vector<512x128xi16>
    %convert_element_type3A_83 = arith.truncf %reshape3A_80 : vector<512x128xf32> to vector<512x128xbf16>
    %bitcast_convert_type3A_84 = tpu.bitcast %convert_element_type3A_83 : vector<512x128xbf16> -> vector<512x128xi16>
    %convert_element_type3A_85 = arith.extui %bitcast_convert_type3A_82 : vector<512x128xi16> to vector<512x128xi32>
    %convert_element_type3A_86 = arith.extui %bitcast_convert_type3A_84 : vector<512x128xi16> to vector<512x128xi32>
    %shift_left3A_87 = arith.constant 16 : i32
    %shift_left3A_88 = vector.broadcast %shift_left3A_87 : i32 to vector<512x128xi32>
    %shift_left3A_89 = arith.shli %convert_element_type3A_86, %shift_left3A_88 : vector<512x128xi32>
    %or3A_90 = arith.ori %convert_element_type3A_85, %shift_left3A_89 : vector<512x128xi32>
    %swap3A_91 = arith.constant 3 : index
    %swap3A_92 = arith.constant 0 : index
    %swap3A_93 = arith.constant 0 : index
    %swap3A_94 = vector.load %arg3[%swap3A_91, %swap3A_92, %swap3A_93] : memref<4x512x128xi32, #tpu.memory_space<vmem>>, vector<1x512x128xi32>
    %swap3A_95 = vector.shape_cast %swap3A_94 : vector<1x512x128xi32> to vector<512x128xi32>
    %swap3A_96 = vector.shape_cast %or3A_90 : vector<512x128xi32> to vector<1x512x128xi32>
    tpu.vector_store %arg3[%swap3A_91, %swap3A_92, %swap3A_93], %swap3A_96 {strides = array<i32>} : memref<4x512x128xi32, #tpu.memory_space<vmem>>, vector<1x512x128xi32>,
    return
  }
  func.func @transform_0(%arg0: i32, %arg1: i32) -> (i32, i32) {
    %c0_i32 = arith.constant 0 : i32
    return %arg0, %arg1 : i32, i32
  }
  func.func @transform_1(%arg0: i32, %arg1: i32) -> (i32, i32, i32) {
    %c0_i32 = arith.constant 0 : i32
    %c0_i32_0 = arith.constant 0 : i32
    return %arg0, %arg1, %c0_i32 : i32, i32, i32
  }
}

</mosaic_0001>

<sc_bundles>
// kernel: kernel.4.cloned.1.call-start
scs
__scs_entry_jumppad:
0x0: {  	(pc) =	sbr.rel $0x88, $3  }
0x1: {  	(tag) =	ssettag $0x0;
	lr =	simm.s32 $0x1  }
0x2: {  	[smem:$0x3F9F] =	sst lr;
	_ =	strace $0xD0000000  }
0x3: {  	_ = 	snop  }
0x4: {  	_ = 	snop  }
0x5: {  	_ = 	snop  }
0x6: {  	_ = 	snop  }
0x7: {  	_ = 	snop  }
__scs_overlays_trampoline_lowered:
0x8: {  	[smem:$0x3FAE] =	sst s0  }
0x9: {  	[smem:$0x3FAF] =	sst s1  }
0xa: {  	[smem:$0x3FB0] =	sst s2  }
0xb: {  	[smem:$0x3FB1] =	sst s3  }
0xc: {  	[smem:$0x3FB2] =	sst s4  }
0xd: {  	[smem:$0x3FB3] =	sst s5  }
0xe: {  	[smem:$0x3FB4] =	sst s6  }
0xf: {  	[smem:$0x3FB5] =	sst s7  }
0x10: {  	[smem:$0x3FB6] =	sst s8  }
0x11: {  	[smem:$0x3FB7] =	sst s9;
	s0 =	simm.s32 @!p0 $0x0  }
0x12: {  	s1 =	sld [smem:$0x3F9D];
	s0 =	simm.s32 @p0 $0x1  }
0x13: {  	[smem:$0x3FB8] =	sst s0;
	s0 =	simm.s32 @!p1 $0x0  }
0x14: {  	s2 =	sld [smem:$0x3F9C];
	s0 =	simm.s32 @p1 $0x1  }
0x15: {  	[smem:$0x3FB9] =	sst s0;
	s0 =	simm.s32 @!p2 $0x0  }
0x16: {  	s3 =	sld [smem:$0x3FDB];
	s0 =	simm.s32 @p2 $0x1  }
0x17: {  	s4 =	simm.s32 $0x1BF5;
	[smem:$0x3FBB] =	sst s0  }
0x18: {  	s0 =	sld [smem:$0x3F9E];
	_ =	swait.ge [sflag:s4], $0x0  }
0x19: {  	s7 =	sld [smem:$0x3F9F]  }
0x1a: {  	s8 =	sadd.s32 $0xFFFFE003, lr  }
0x1b: {  	s9 =	sadd.s32 $0xFFFFFEF7, lr;
	s5 =	simm.s32 $0xFFFFFFFF;
	p2 =	slt.u32 s8, $0xFFFFF086  }
0x1c: {  	p1 =	slt.u32 s9, $0xF7A;
	s5 =	simm.s32 @!p2 $0x0  }
0x1d: {  	s5 =	simm.s32 @p1 $0x1;
	p0 =	seq.s32 s7, s2  }
0x1e: {  	s7 =	smul.u32 @!p0 $0xF7A, s2;
	p2 =	seq.s32 @!p0 s5, $0x0  }
0x1f: {  	s9 =	smul.u32 $0xF7A, s1;
	s8 =	simm.s32 @!p0 $0x1BF5;
	p2 =	por !p2, p0  }
0x20: {  	[sflag:s8] =	ssyncset.s32 @!p0 $0xFFFFF086;
	s6 =	sadd.s32 @!p0 s3, s7;
	s7 =	simm.s32 @!p0 $0x108  }
0x21: {  	s3 =	sadd.s32 s3, s9;
	s6 =	sadd.s32 @!p0 $0x88, s6;
	s7 =	simm.s32 @p2 $0x1082  }
0x22: {  	[simem:s7], [sflag:s8] =	dma.local @!p0 [hbm:s6], $0xF7A  }
0x23: {  	s9 =	sor.u32 $0xD0000000, s2;
	s6 =	simm.s32 $0x108;
	_ =	swait.ge @!p0 [sflag:s8], $0x0  }
0x24: {  	s3 =	sadd.s32 $0x88, s3;
	s6 =	simm.s32 @!p1 $0x1082;
	[sflag:s4] =	ssyncset.s32 $0xFFFFF086  }
0x25: {  	[simem:s6], [sflag:s4] =	dma.local [hbm:s3], $0xF7A  }
0x26: {  	[smem:$0x3F9F] =	sst s1;
	(tag) =	ssettag s2;
	_ =	strace s9  }
0x27: {  	s1 =	sld [smem:$0x3FAF]  }
0x28: {  	s2 =	sld [smem:$0x3FB0]  }
0x29: {  	s4 =	sld [smem:$0x3FB2]  }
0x2a: {  	p0 =	seq.s32 s5, $0x0;
	s5 =	sld [smem:$0x3FB3]  }
0x2b: {  	s6 =	sld [smem:$0x3FB4]  }
0x2c: {  	s7 =	sld [smem:$0x3FB5]  }
0x2d: {  	s3 =	simm.s32 $0x108;
	s8 =	sld [smem:$0x3FB6]  }
0x2e: {  	s3 =	simm.s32 @!p0 $0x1082;
	s9 =	sld [smem:$0x3FB7]  }
0x2f: {  	lr =	sadd.s32 s0, s3;
	s0 =	sld [smem:$0x3FAE]  }
0x30: {  	s3 =	sld [smem:$0x3FB1]  }
0x31: {  	[smem:$0x3FBA] =	sst s10  }
0x32: {  	s10 =	sld [smem:$0x3FB8];
	_ =	sdelay $0x3  }
0x33: {  	p0 =	seq.s32 s10, $0x1;
	s10 =	sld [smem:$0x3FBA];
	_ =	sdelay $0x3  }
0x34: {  	[smem:$0x3FBA] =	sst s10  }
0x35: {  	s10 =	sld [smem:$0x3FB9];
	_ =	sdelay $0x3  }
0x36: {  	p1 =	seq.s32 s10, $0x1;
	s10 =	sld [smem:$0x3FBA];
	_ =	sdelay $0x3  }
0x37: {  	[smem:$0x3FBA] =	sst s10  }
0x38: {  	s10 =	sld [smem:$0x3FBB]  }
0x39: {  	_ = 	snop;
	(pc) =	sbr.ind lr, $3  }
0x3a: {  	_ = 	snop  }
0x3b: {  	_ = 	snop  }
0x3c: {  	p2 =	seq.s32 s10, $0x1;
	s10 =	sld [smem:$0x3FBA]  }
0x3d: {  	_ =	shalt  }
0x3e: {  	_ =	shalt  }
0x3f: {  	_ =	shalt  }
0x40: {  	_ =	shalt  }
0x41: {  	_ =	shalt  }
0x42: {  	_ =	shalt  }
0x43: {  	_ =	shalt  }
0x44: {  	_ =	shalt  }
0x45: {  	_ =	shalt  }
0x46: {  	_ =	shalt  }
0x47: {  	_ =	shalt  }
0x48: {  	_ =	shalt  }
0x49: {  	_ =	shalt  }
0x4a: {  	_ =	shalt  }
0x4b: {  	_ =	shalt  }
0x4c: {  	_ =	shalt  }
0x4d: {  	_ =	shalt  }
0x4e: {  	_ =	shalt  }
0x4f: {  	_ =	shalt  }
0x50: {  	_ =	shalt  }
0x51: {  	_ =	shalt  }
0x52: {  	_ =	shalt  }
0x53: {  	_ =	shalt  }
0x54: {  	_ =	shalt  }
0x55: {  	_ =	shalt  }
0x56: {  	_ =	shalt  }
0x57: {  	_ =	shalt  }
0x58: {  	_ =	shalt  }
0x59: {  	_ =	shalt  }
0x5a: {  	_ =	shalt  }
0x5b: {  	_ =	shalt  }
0x5c: {  	_ =	shalt  }
0x5d: {  	_ =	shalt  }
0x5e: {  	_ =	shalt  }
0x5f: {  	_ =	shalt  }
0x60: {  	_ =	shalt  }
0x61: {  	_ =	shalt  }
0x62: {  	_ =	shalt  }
0x63: {  	_ =	shalt  }
0x64: {  	_ =	shalt  }
0x65: {  	_ =	shalt  }
0x66: {  	_ =	shalt  }
0x67: {  	_ =	shalt  }
0x68: {  	_ =	shalt  }
0x69: {  	_ =	shalt  }
0x6a: {  	_ =	shalt  }
0x6b: {  	_ =	shalt  }
0x6c: {  	_ =	shalt  }
0x6d: {  	_ =	shalt  }
0x6e: {  	_ =	shalt  }
0x6f: {  	_ =	shalt  }
0x70: {  	_ =	shalt  }
0x71: {  	_ =	shalt  }
0x72: {  	_ =	shalt  }
0x73: {  	_ =	shalt  }
0x74: {  	_ =	shalt  }
0x75: {  	_ =	shalt  }
0x76: {  	_ =	shalt  }
0x77: {  	_ =	shalt  }
0x78: {  	_ =	shalt  }
0x79: {  	_ =	shalt  }
0x7a: {  	_ =	shalt  }
0x7b: {  	_ =	shalt  }
0x7c: {  	_ =	shalt  }
0x7d: {  	_ =	shalt  }
0x7e: {  	_ =	shalt  }
0x7f: {  	_ =	shalt  }
0x80: {  	_ =	shalt  }
0x81: {  	_ =	shalt  }
0x82: {  	_ =	shalt  }
0x83: {  	_ =	shalt  }
0x84: {  	_ =	shalt  }
0x85: {  	_ =	shalt  }
0x86: {  	_ =	shalt  }
0x87: {  	_ =	shalt  }
.Lfunc_end0:
.L_simem_size_0:
called_computation_lowered:
.L_overlay_start_0:
0x88: {  	s2 =	sld [smem:$0x3FD9]  }
0x89: {  	s3 =	sld [smem:$0x3FFE];
	_ =	sdelay $0x1  }
0x8a: {  	s1 =	srdreg.scid  }
0x8b: {  	s0 =	sand.u32 $0x1, s1  }
0x8c: {  	s17 =	sshll.u32 s0, $0xA;
	s2 =	sadd.s32 s3, s2  }
0x8d: {  	s2 =	sadd.s32 s2, s17  }
0x8e: {  	[smem:$0x3FC6] =	sst s2  }
0x8f: {  	_ = 	snop  }
0x90: {  	s2 =	sld [smem:$0x3FD0];
	(tm) =	ssettm $0x1  }
0x91: {  	s18 =	sld [smem:$0x3FFB];
	_ =	sdelay $0x3  }
0x92: {  	_ =	strace s18  }
0x93: {  	s3 =	sld [smem:$0x3FFC];
	_ =	sdelay $0x3  }
0x94: {  	_ =	strace s3  }
0x95: {  	s3 =	sld [smem:$0x3FFD];
	_ =	sdelay $0x3  }
0x96: {  	_ =	strace s3  }
0x97: {  	_ =	strace $0x8FFFFFFF  }
0x98: {  	s19 =	sld [smem:$0x3FDB];
	_ =	sdelay $0x1  }
0x99: {  	s4 =	simm.s32 $_scs_section_size  }
0x9a: {  	s5 =	simm.s32 $_size__tile_overlayer_lowered;
	s6 =	simm.s32 $_tile_overlayer_lowered  }
0x9b: {  	s22 =	simm.s32 $0x1BFF;
	s21 =	sshll.u32 s6, $0x1;
	s3 =	sadd.s32 s4, s19  }
0x9c: {  	s7 =	simm.s32 $0x0;
	s20 =	sshll.u32 s5, $0x1;
	s5 =	sadd.s32 s21, s3  }
0x9d: {  	[timem:s7], [sflag:s22] =	dma.local [hbm:s5], s20  }
0x9e: {  	_ =	swait.ge [sflag:s22], s20  }
0x9f: {  	s4 =	ssub.s32 $0x0, s20;
	[sflag:s22] =	ssyncset.done $0x0  }
0xa0: {  	[sflag:s22] =	ssyncadd.s32 s4;
	_ =	sdelay $0x1  }
0xa1: {  	s23 =	simm.s32 $0x1B8B  }
0xa2: {  	_ =	swait.ge [sflag:s23], $0x1  }
0xa3: {  	[sflag:s23] =	ssyncset.done $0x0  }
0xa4: {  	s25 =	simm.s32 $0x1B8E;
	s24 =	sld [smem:$0x3FFE];
	[sflag:s23] =	ssyncadd.s32 $0xFFFFFFFF  }
0xa5: {  	s26 =	simm.s32 $execute0_lowered;
	[smem:$0x3FD2] =	sst s25  }
0xa6: {  	s5 =	sshll.u32 s26, $0x1;
	_ =	strace $0x80000046;
	[dreg:$0x1] =	wrdreg $0xFFFFFFFF  }
0xa7: {  	s28 =	simm.s32 $_size_execute0_lowered;
	s3 =	sadd.s32 s3, s5;
	[dreg:$0x0] =	wrdreg $0x0  }
0xa8: {  	s5 =	sshll.u32 s28, $0x1;
	[dreg:$0x2] =	wrdreg s3  }
0xa9: {  	[dreg:$0x3] =	wrdreg s5  }
0xaa: {  	[dreg:$0x4] =	wrdreg $0xC0  }
0xab: {  	_ =	task [dreg:s7], $0x5FFFF  }
0xac: {  	[dreg:$0x1] =	wrdreg $0xFFFFFFFF  }
0xad: {  	[dreg:$0x0] =	wrdreg $0x60  }
0xae: {  	[dreg:$0x2] =	wrdreg s24  }
0xaf: {  	[dreg:$0x3] =	wrdreg s2  }
0xb0: {  	[dreg:$0x4] =	wrdreg $0xD0000  }
0xb1: {  	[dreg:$0x5] =	wrdreg $0x9  }
0xb2: {  	_ =	task.clear_ibuf [dreg:s7], $0x6FFFF;
	_ =	strace $0x90000046  }
0xb3: {  	s29 =	simm.s32 $0x9;
	_ =	strace $0x80000048  }
0xb4: {  	_ =	swait.ge [sflag:s29], $0x1  }
0xb5: {  	[sflag:s29] =	ssyncadd.s32 $0xFFFFFFFF  }
0xb6: {  	_ =	strace $0x90000048  }
0xb7: {  	_ =	sfence  }
0xb8: {  	s30 =	sld [smem:$0x0];
	_ =	sdelay $0x2  }
0xb9: {  	s31 =	sshll.u32 s1, $0xD;
	s1 =	sshrl.u32 s1, $0x2  }
0xba: {  	s3 =	sand.u32 $0x4000, s31;
	s1 =	sadd.s32 s1, s30  }
0xbb: {  	s0 =	sor.u32 s3, s0;
	s1 =	sshll.u32 s1, $0x11  }
0xbc: {  	s0 =	sor.u32 s1, s0  }
0xbd: {  	s0 =	sadd.s32 $0x8F2B, s0  }
0xbe: {  	[sflag:s0] =	ssyncadd.remote.s32 $0x1  }
0xbf: {  	_ =	sfence.sel $0xFFFF  }
0xc0: {  	[dreg:$0x0] =	wrdreg $0xFFFFFFFF;
	(pc) =	sbr.abs _section_cstart, $3  }
0xc1: {  	[dreg:$0x1] =	wrdreg $0xFFFFFFFF  }
0xc2: {  	_ =	task.clear_ibuf [dreg:s7], $0x2FFFF;
	_ =	strace $0x9FFFFFFF  }
0xc3: {  	(tm) =	ssettm $0x7FFFFFFF  }
tec
execute0_lowered:
.L_overlay_start_1:
0x0: {  	(tag) =	ssettag $0x1  }
0x1: {  	s0 =	rddreg [dreg:$0x0]  }
0x2: {  	s1 =	rddreg [dreg:$0x1]  }
0x3: {  	s2 =	rddreg [dreg:$0x2];
	s4 =	srdreg.scid;
	s3 =	simm.s32 $0x0  }
0x4: {  	s10 =	stileid.u32;
	s28 =	simm.s32 $0x80;
	s29 =	simm.s32 $0x2  }
0x5: {  	s30 =	simm.s32 $0x3;
	s31 =	simm.s32 $0x0;
	s4 =	sand.u32 $0x1, s4  }
0x6: {  	[smem:$0x7FF] =	sst s3;
	s5 =	sshll.u32 s10, $0x10;
	s8 =	sshll.u32 s10, $0x7  }
0x7: {  	s23 =	sshll.u32 s10, $0x9;
	s6 =	sshll.u32 s4, $0x17;
	_ =	strace $0x80000047  }
0x8: {  	s7 =	ssub.s32 $0x2, s4;
	s8 =	sadd.s32 s8, s0;
	s4 =	sshll.u32 s4, $0xE  }
0x9: {  	s6 =	sor.u32 s5, s6;
	s9 =	sshrl.u32 s7, $0x1;
	s21 =	sadd.s32 $0x200600, s8  }
0xa: {  	s5 =	sadd.s32 s5, s2;
	s1 =	sadd.s32 s4, s1;
	[dreg:$0x4] =	wrdreg s21  }
0xb: {  	s6 =	sshrl.u32 s6, $0x3;
	s20 =	ssub.s32 s7, s9;
	[dreg:$0x5] =	wrdreg s5  }
0xc: {  	s15 =	sadd.s32 s23, s1;
	s0 =	sadd.s32 s6, s0;
	s14 =	smax.u32 s20, $0x1  }
0xd: {  	s4 =	sadd.s32 $0x1D0, s15;
	s17 =	sadd.s32 $0x1E0, s15;
	s18 =	sadd.s32 $0x1F0, s15  }
0xe: {  	s19 =	sadd.s32 $0x2000, s15;
	s20 =	sadd.s32 $0x2010, s15;
	s22 =	sadd.s32 $0x600, s0  }
0xf: {  	s21 =	sadd.s32 $0x2020, s15;
	s24 =	sadd.s32 $0x20600, s0;
	[dreg:$0x6] =	wrdreg s22  }
0x10: {  	s25 =	sadd.s32 $0x40600, s0;
	s26 =	sadd.s32 $0x60600, s0;
	[dreg:$0x7] =	wrdreg s24  }
0x11: {  	s10 =	sadd.s32 $0x80600, s0;
	s11 =	sadd.s32 $0xA0600, s0;
	[dreg:$0x8] =	wrdreg s25  }
0x12: {  	s12 =	sadd.s32 $0xC0600, s0;
	s13 =	sadd.s32 $0xE0600, s0;
	[dreg:$0x9] =	wrdreg s26  }
0x13: {  	s22 =	sadd.s32 $0x2030, s15;
	s25 =	simm.s32 $0x4;
	s26 =	simm.s32 $0x1  }
.LBB2_1:
0x14: {  	s0 =	rddreg [dreg:$0x4]  }
0x15: {  	s1 =	simm.s32 $0x400;
	s5 =	simm.s32 $0x4000;
	s7 =	stileid.u32  }
0x16: {  	[tilespmem:s3], [sflag:$0x4] =	stream.strided.gather [hbm4b:s0+s1], $0x6800, s5, s1, $0x38;
	[tilespmem:$0x1D000] =	vst v63  }
0x17: {  	s0 =	sshll.u32 s7, $0x6;
	_ =	swait.ge [sflag:s25], $0x6800  }
0x18: {  	s0 =	sor.u32 $0x1C01, s0;
	[sflag:s25] =	ssyncset.done $0x0;
	s8 =	rddreg [dreg:$0x5]  }
0x19: {  	s9 =	rddreg [dreg:$0x6];
	[sflag:s25] =	ssyncadd.s32 $0xFFFF9800;
	s23 =	sshrl.u32 s8, $0x3  }
0x1a: {  	[spmem:s23], [sflag:s0] =	dma.local [hbm:s9], $0x2000  }
0x1b: {  	_ =	swait.ge [sflag:s26], $0x2000  }
0x1c: {  	[sflag:s26] =	ssyncset.done $0x0  }
0x1d: {  	[sflag:s26] =	ssyncadd.s32 $0xFFFFE000  }
0x1e: {  	s16 =	simm.s32 $0x0;
	s24 =	simm.s32 $0x6800;
	[bflag:$0x0] =	sbarrier.arrive $0xFFFF  }
0x1f: {  	[tilespmem:s24], [sflag:$0x2] =	stream.indirect.gather [spmem:s2], $0x1, s16, s28, $0xb8;
	[tilespmem:$0x1D000] =	vst v63  }
0x20: {  	s6 =	simm.s32 $0x6880;
	s7 =	simm.s32 $0x80  }
0x21: {  	[tilespmem:s6], [sflag:$0x2] =	stream.indirect.gather [spmem:s2], $0x1, s7, s28, $0xb8;
	[tilespmem:$0x1D000] =	vst v63  }
0x22: {  	s8 =	simm.s32 $0x6900;
	s9 =	simm.s32 $0x100  }
0x23: {  	[tilespmem:s8], [sflag:$0x2] =	stream.indirect.gather [spmem:s2], $0x1, s9, s28, $0xb8;
	[tilespmem:$0x1D000] =	vst v63  }
0x24: {  	s16 =	simm.s32 $0x6980;
	s24 =	simm.s32 $0x180  }
0x25: {  	[tilespmem:s16], [sflag:$0x2] =	stream.indirect.gather [spmem:s2], $0x1, s24, s28, $0xb8;
	[tilespmem:$0x1D000] =	vst v63  }
0x26: {  	s6 =	simm.s32 $0x6A00;
	s7 =	simm.s32 $0x200  }
0x27: {  	[tilespmem:s6], [sflag:$0x2] =	stream.indirect.gather [spmem:s2], $0x1, s7, s28, $0xb8;
	[tilespmem:$0x1D000] =	vst v63  }
0x28: {  	s8 =	simm.s32 $0x6A80;
	s9 =	simm.s32 $0x280  }
0x29: {  	[tilespmem:s8], [sflag:$0x2] =	stream.indirect.gather [spmem:s2], $0x1, s9, s28, $0xb8;
	[tilespmem:$0x1D000] =	vst v63  }
0x2a: {  	s1 =	simm.s32 $0x400;
	s16 =	simm.s32 $0x6B00;
	s24 =	simm.s32 $0x300  }
0x2b: {  	[tilespmem:s16], [sflag:$0x2] =	stream.indirect.gather [spmem:s2], $0x1, s24, s28, $0xb8;
	[tilespmem:$0x1D000] =	vst v63  }
0x2c: {  	s5 =	simm.s32 $0x2000;
	s6 =	simm.s32 $0x6B80;
	s16 =	simm.s32 $0x380  }
.LBB2_2:
0x2d: {  	[tilespmem:s6], [sflag:$0x2] =	stream.indirect.gather [spmem:s2], $0x1, s16, s28, $0xb8;
	[tilespmem:$0x1D000] =	vst v63  }
0x2e: {  	s6 =	smov.u32 s5  }
0x2f: {  	s7 =	sadd.s32 $0x1000, s5;
	s24 =	sshra.s32 s6, $0x2;
	s6 =	sadd.s32 $0x6800, s1  }
0x30: {  	[tilespmem:s6], [sflag:$0x2] =	stream.indirect.gather [spmem:s2], $0x1, s1, s28, $0xb8;
	[tilespmem:$0x1D000] =	vst v63  }
0x31: {  	p0 =	sne.s32 s5, $0x19000;
	s5 =	sadd.s32 $0x6880, s1;
	s6 =	sadd.s32 $0x80, s1  }
0x32: {  	[tilespmem:s5], [sflag:$0x2] =	stream.indirect.gather [spmem:s2], $0x1, s6, s28, $0xb8;
	[tilespmem:$0x1D000] =	vst v63  }
0x33: {  	s5 =	sadd.s32 $0x6900, s1;
	s6 =	sadd.s32 $0x100, s1  }
0x34: {  	[tilespmem:s5], [sflag:$0x2] =	stream.indirect.gather [spmem:s2], $0x1, s6, s28, $0xb8;
	[tilespmem:$0x1D000] =	vst v63  }
0x35: {  	s5 =	sadd.s32 $0x6980, s1;
	s6 =	sadd.s32 $0x180, s1  }
0x36: {  	[tilespmem:s5], [sflag:$0x2] =	stream.indirect.gather [spmem:s2], $0x1, s6, s28, $0xb8;
	[tilespmem:$0x1D000] =	vst v63  }
0x37: {  	s5 =	sadd.s32 $0x6A00, s1;
	s6 =	sadd.s32 $0x200, s1  }
0x38: {  	[tilespmem:s5], [sflag:$0x2] =	stream.indirect.gather [spmem:s2], $0x1, s6, s28, $0xb8;
	[tilespmem:$0x1D000] =	vst v63  }
.Ltmp0:
0x39: {  	s5 =	sadd.s32 $0x6A80, s1;
	s6 =	sadd.s32 $0x280, s1;
	(pc) =	sbr.rel @p0 .LBB2_2-.Ltmp0, $4  }
0x3a: {  	[tilespmem:s5], [sflag:$0x2] =	stream.indirect.gather [spmem:s2], $0x1, s6, s28, $0xb8;
	[tilespmem:$0x1D000] =	vst v63  }
0x3b: {  	s16 =	sadd.s32 $0x380, s1;
	s5 =	sadd.s32 $0x6B00, s1;
	s6 =	sadd.s32 $0x300, s1  }
0x3c: {  	[tilespmem:s5], [sflag:$0x2] =	stream.indirect.gather [spmem:s2], $0x1, s6, s28, $0xb8;
	[tilespmem:$0x1D000] =	vst v63  }
0x3d: {  	s6 =	sadd.s32 $0x6B80, s1;
	s1 =	smov.u32 s24;
	s5 =	smov.u32 s7  }
0x3e: {  	[tilespmem:s6], [sflag:$0x2] =	stream.indirect.gather [spmem:s2], $0x1, s16, s28, $0xb8;
	[tilespmem:$0x1D000] =	vst v63  }
0x3f: {  	s5 =	sadd.s32 $0x6800, s1  }
0x40: {  	[tilespmem:s5], [sflag:$0x2] =	stream.indirect.gather [spmem:s2], $0x1, s1, s28, $0xb8;
	[tilespmem:$0x1D000] =	vst v63  }
0x41: {  	s16 =	sadd.s32 $0x6880, s1;
	s24 =	sadd.s32 $0x80, s1  }
0x42: {  	[tilespmem:s16], [sflag:$0x2] =	stream.indirect.gather [spmem:s2], $0x1, s24, s28, $0xb8;
	[tilespmem:$0x1D000] =	vst v63  }
0x43: {  	s6 =	sadd.s32 $0x6900, s1;
	s7 =	sadd.s32 $0x100, s1  }
0x44: {  	[tilespmem:s6], [sflag:$0x2] =	stream.indirect.gather [spmem:s2], $0x1, s7, s28, $0xb8;
	[tilespmem:$0x1D000] =	vst v63  }
0x45: {  	s8 =	sadd.s32 $0x6980, s1;
	s9 =	sadd.s32 $0x180, s1  }
0x46: {  	[tilespmem:s8], [sflag:$0x2] =	stream.indirect.gather [spmem:s2], $0x1, s9, s28, $0xb8;
	[tilespmem:$0x1D000] =	vst v63  }
0x47: {  	s16 =	sadd.s32 $0x6A00, s1;
	s24 =	sadd.s32 $0x200, s1  }
0x48: {  	[tilespmem:s16], [sflag:$0x2] =	stream.indirect.gather [spmem:s2], $0x1, s24, s28, $0xb8;
	[tilespmem:$0x1D000] =	vst v63  }
0x49: {  	s6 =	sadd.s32 $0x6A80, s1;
	s7 =	sadd.s32 $0x280, s1  }
0x4a: {  	[tilespmem:s6], [sflag:$0x2] =	stream.indirect.gather [spmem:s2], $0x1, s7, s28, $0xb8;
	[tilespmem:$0x1D000] =	vst v63  }
0x4b: {  	s8 =	sadd.s32 $0x6B00, s1;
	s9 =	sadd.s32 $0x300, s1  }
0x4c: {  	[tilespmem:s8], [sflag:$0x2] =	stream.indirect.gather [spmem:s2], $0x1, s9, s28, $0xb8;
	[tilespmem:$0x1D000] =	vst v63  }
0x4d: {  	s16 =	sadd.s32 $0x6B80, s1;
	s24 =	sadd.s32 $0x380, s1  }
0x4e: {  	[tilespmem:s16], [sflag:$0x2] =	stream.indirect.gather [spmem:s2], $0x1, s24, s28, $0xb8;
	[tilespmem:$0x1D000] =	vst v63  }
0x4f: {  	_ =	swait.ge [sflag:s29], $0x6800  }
0x50: {  	[sflag:s29] =	ssyncset.done $0x0  }
0x51: {  	s5 =	simm.s32 $0x6800;
	[sflag:s29] =	ssyncadd.s32 $0xFFFF9800  }
0x52: {  	[hbm4b:s15+s3] =	stream.linear.scatter [tilespmem:s5], [sflag:$0x3], $0x80, $0x38;
	[tilespmem:$0x1D000] =	vst v63  }
0x53: {  	s6 =	sadd.s32 $0x40, s15;
	s7 =	simm.s32 $0x6880  }
0x54: {  	[hbm4b:s6+s3] =	stream.linear.scatter [tilespmem:s7], [sflag:$0x3], $0x80, $0x38;
	[tilespmem:$0x1D000] =	vst v63  }
0x55: {  	s8 =	sadd.s32 $0x80, s15;
	s9 =	simm.s32 $0x6900  }
0x56: {  	[hbm4b:s8+s3] =	stream.linear.scatter [tilespmem:s9], [sflag:$0x3], $0x80, $0x38;
	[tilespmem:$0x1D000] =	vst v63  }
0x57: {  	s16 =	sadd.s32 $0xC0, s15;
	s24 =	simm.s32 $0x6980  }
0x58: {  	[hbm4b:s16+s3] =	stream.linear.scatter [tilespmem:s24], [sflag:$0x3], $0x80, $0x38;
	[tilespmem:$0x1D000] =	vst v63  }
0x59: {  	s6 =	sadd.s32 $0x100, s15;
	s7 =	simm.s32 $0x6A00  }
0x5a: {  	[hbm4b:s6+s3] =	stream.linear.scatter [tilespmem:s7], [sflag:$0x3], $0x80, $0x38;
	[tilespmem:$0x1D000] =	vst v63  }
0x5b: {  	s1 =	simm.s32 $0x400;
	s8 =	sadd.s32 $0x140, s15;
	s9 =	simm.s32 $0x6A80  }
0x5c: {  	[hbm4b:s8+s3] =	stream.linear.scatter [tilespmem:s9], [sflag:$0x3], $0x80, $0x38;
	[tilespmem:$0x1D000] =	vst v63  }
0x5d: {  	s5 =	simm.s32 $0x2000;
	s16 =	sadd.s32 $0x180, s15;
	s24 =	simm.s32 $0x6B00  }
0x5e: {  	[hbm4b:s16+s3] =	stream.linear.scatter [tilespmem:s24], [sflag:$0x3], $0x80, $0x38;
	[tilespmem:$0x1D000] =	vst v63  }
0x5f: {  	s6 =	simm.s32 $0x6B80;
	s16 =	sadd.s32 $0x1C0, s15;
	s24 =	sadd.s32 $0x8000, s15  }
.LBB2_4:
0x60: {  	[hbm4b:s16+s3] =	stream.linear.scatter [tilespmem:s6], [sflag:$0x3], $0x80, $0x38;
	[tilespmem:$0x1D000] =	vst v63  }
0x61: {  	s6 =	smov.u32 s1;
	s1 =	smov.u32 s5  }
0x62: {  	s7 =	sadd.s32 $0x1000, s5;
	s1 =	sshra.s32 s1, $0x2;
	s16 =	sadd.s32 $0x6800, s6  }
0x63: {  	[hbm4b:s24+s3] =	stream.linear.scatter [tilespmem:s16], [sflag:$0x3], $0x80, $0x38;
	[tilespmem:$0x1D000] =	vst v63  }
0x64: {  	p0 =	sne.s32 s5, $0x19000;
	s5 =	sadd.s32 $0x40, s24;
	s16 =	sadd.s32 $0x6880, s6  }
0x65: {  	[hbm4b:s5+s3] =	stream.linear.scatter [tilespmem:s16], [sflag:$0x3], $0x80, $0x38;
	[tilespmem:$0x1D000] =	vst v63  }
0x66: {  	s5 =	sadd.s32 $0x80, s24;
	s16 =	sadd.s32 $0x6900, s6  }
0x67: {  	[hbm4b:s5+s3] =	stream.linear.scatter [tilespmem:s16], [sflag:$0x3], $0x80, $0x38;
	[tilespmem:$0x1D000] =	vst v63  }
0x68: {  	s5 =	sadd.s32 $0xC0, s24;
	s16 =	sadd.s32 $0x6980, s6  }
0x69: {  	[hbm4b:s5+s3] =	stream.linear.scatter [tilespmem:s16], [sflag:$0x3], $0x80, $0x38;
	[tilespmem:$0x1D000] =	vst v63  }
0x6a: {  	s5 =	sadd.s32 $0x100, s24;
	s16 =	sadd.s32 $0x6A00, s6  }
0x6b: {  	[hbm4b:s5+s3] =	stream.linear.scatter [tilespmem:s16], [sflag:$0x3], $0x80, $0x38;
	[tilespmem:$0x1D000] =	vst v63  }
.Ltmp1:
0x6c: {  	s5 =	sadd.s32 $0x140, s24;
	s16 =	sadd.s32 $0x6A80, s6;
	(pc) =	sbr.rel @p0 .LBB2_4-.Ltmp1, $4  }
0x6d: {  	[hbm4b:s5+s3] =	stream.linear.scatter [tilespmem:s16], [sflag:$0x3], $0x80, $0x38;
	[tilespmem:$0x1D000] =	vst v63  }
0x6e: {  	s5 =	sadd.s32 $0x180, s24;
	s16 =	sadd.s32 $0x6B00, s6;
	s6 =	sadd.s32 $0x6B80, s6  }
0x6f: {  	[hbm4b:s5+s3] =	stream.linear.scatter [tilespmem:s16], [sflag:$0x3], $0x80, $0x38;
	[tilespmem:$0x1D000] =	vst v63  }
0x70: {  	s16 =	sadd.s32 $0x1C0, s24;
	s24 =	sadd.s32 $0x8000, s24;
	s5 =	smov.u32 s7  }
0x71: {  	[hbm4b:s16+s3] =	stream.linear.scatter [tilespmem:s6], [sflag:$0x3], $0x80, $0x38;
	[tilespmem:$0x1D000] =	vst v63  }
0x72: {  	s5 =	sadd.s32 $0x6800, s1  }
0x73: {  	[hbm4b:s24+s3] =	stream.linear.scatter [tilespmem:s5], [sflag:$0x3], $0x80, $0x38;
	[tilespmem:$0x1D000] =	vst v63  }
0x74: {  	s7 =	sadd.s32 $0x40, s24;
	s8 =	sadd.s32 $0x6880, s1  }
0x75: {  	[hbm4b:s7+s3] =	stream.linear.scatter [tilespmem:s8], [sflag:$0x3], $0x80, $0x38;
	[tilespmem:$0x1D000] =	vst v63  }
0x76: {  	s9 =	sadd.s32 $0x80, s24;
	s16 =	sadd.s32 $0x6900, s1  }
0x77: {  	[hbm4b:s9+s3] =	stream.linear.scatter [tilespmem:s16], [sflag:$0x3], $0x80, $0x38;
	[tilespmem:$0x1D000] =	vst v63  }
0x78: {  	s7 =	sadd.s32 $0xC0, s24;
	s8 =	sadd.s32 $0x6980, s1  }
0x79: {  	[hbm4b:s7+s3] =	stream.linear.scatter [tilespmem:s8], [sflag:$0x3], $0x80, $0x38;
	[tilespmem:$0x1D000] =	vst v63  }
0x7a: {  	s9 =	sadd.s32 $0x100, s24;
	s16 =	sadd.s32 $0x6A00, s1  }
0x7b: {  	[hbm4b:s9+s3] =	stream.linear.scatter [tilespmem:s16], [sflag:$0x3], $0x80, $0x38;
	[tilespmem:$0x1D000] =	vst v63  }
0x7c: {  	s7 =	sadd.s32 $0x140, s24;
	s8 =	sadd.s32 $0x6A80, s1  }
0x7d: {  	[hbm4b:s7+s3] =	stream.linear.scatter [tilespmem:s8], [sflag:$0x3], $0x80, $0x38;
	[tilespmem:$0x1D000] =	vst v63  }
0x7e: {  	s9 =	sadd.s32 $0x180, s24;
	s16 =	sadd.s32 $0x6B00, s1  }
0x7f: {  	[hbm4b:s9+s3] =	stream.linear.scatter [tilespmem:s16], [sflag:$0x3], $0x80, $0x38;
	[tilespmem:$0x1D000] =	vst v63  }
0x80: {  	s7 =	sadd.s32 $0x1C0, s24;
	s8 =	sadd.s32 $0x6B80, s1  }
0x81: {  	[hbm4b:s7+s3] =	stream.linear.scatter [tilespmem:s8], [sflag:$0x3], $0x80, $0x38;
	[tilespmem:$0x1D000] =	vst v63  }
0x82: {  	[bflag:$0x0] =	sbarrier.arrive $0xFFFF  }
0x83: {  	s9 =	rddreg [dreg:$0x7]  }
0x84: {  	[spmem:s23], [sflag:s0] =	dma.local [hbm:s9], $0x2000  }
0x85: {  	_ =	swait.ge [sflag:s26], $0x2000  }
0x86: {  	[sflag:s26] =	ssyncset.done $0x0  }
0x87: {  	[sflag:s26] =	ssyncadd.s32 $0xFFFFE000  }
0x88: {  	[bflag:$0x0] =	sbarrier.arrive $0xFFFF  }
0x89: {  	_ =	swait.ge [sflag:s30], $0x6800  }
0x8a: {  	[sflag:s30] =	ssyncset.done $0x0  }
0x8b: {  	s24 =	simm.s32 $0x6800;
	s16 =	simm.s32 $0x0;
	[sflag:s30] =	ssyncadd.s32 $0xFFFF9800  }
0x8c: {  	[tilespmem:s24], [sflag:$0x2] =	stream.indirect.gather [spmem:s2], $0x1, s16, s28, $0xb8;
	[tilespmem:$0x1D000] =	vst v63  }
0x8d: {  	s6 =	simm.s32 $0x6880;
	s7 =	simm.s32 $0x80  }
0x8e: {  	[tilespmem:s6], [sflag:$0x2] =	stream.indirect.gather [spmem:s2], $0x1, s7, s28, $0xb8;
	[tilespmem:$0x1D000] =	vst v63  }
0x8f: {  	s8 =	simm.s32 $0x6900;
	s9 =	simm.s32 $0x100  }
0x90: {  	[tilespmem:s8], [sflag:$0x2] =	stream.indirect.gather [spmem:s2], $0x1, s9, s28, $0xb8;
	[tilespmem:$0x1D000] =	vst v63  }
0x91: {  	s16 =	simm.s32 $0x6980;
	s24 =	simm.s32 $0x180  }
0x92: {  	[tilespmem:s16], [sflag:$0x2] =	stream.indirect.gather [spmem:s2], $0x1, s24, s28, $0xb8;
	[tilespmem:$0x1D000] =	vst v63  }
0x93: {  	s6 =	simm.s32 $0x6A00;
	s7 =	simm.s32 $0x200  }
0x94: {  	[tilespmem:s6], [sflag:$0x2] =	stream.indirect.gather [spmem:s2], $0x1, s7, s28, $0xb8;
	[tilespmem:$0x1D000] =	vst v63  }
0x95: {  	s8 =	simm.s32 $0x6A80;
	s9 =	simm.s32 $0x280  }
0x96: {  	[tilespmem:s8], [sflag:$0x2] =	stream.indirect.gather [spmem:s2], $0x1, s9, s28, $0xb8;
	[tilespmem:$0x1D000] =	vst v63  }
0x97: {  	s5 =	simm.s32 $0x2000;
	s16 =	simm.s32 $0x6B00;
	s24 =	simm.s32 $0x300  }
0x98: {  	[tilespmem:s16], [sflag:$0x2] =	stream.indirect.gather [spmem:s2], $0x1, s24, s28, $0xb8;
	[tilespmem:$0x1D000] =	vst v63  }
0x99: {  	s1 =	simm.s32 $0x400;
	s6 =	simm.s32 $0x6B80;
	s16 =	simm.s32 $0x380  }
.LBB2_6:
0x9a: {  	[tilespmem:s6], [sflag:$0x2] =	stream.indirect.gather [spmem:s2], $0x1, s16, s28, $0xb8;
	[tilespmem:$0x1D000] =	vst v63  }
0x9b: {  	s6 =	smov.u32 s5  }
0x9c: {  	s24 =	sadd.s32 $0x1000, s5;
	s7 =	sshra.s32 s6, $0x2;
	s6 =	sadd.s32 $0x6800, s1  }
0x9d: {  	[tilespmem:s6], [sflag:$0x2] =	stream.indirect.gather [spmem:s2], $0x1, s1, s28, $0xb8;
	[tilespmem:$0x1D000] =	vst v63  }
0x9e: {  	p0 =	sne.s32 s5, $0x19000;
	s5 =	sadd.s32 $0x6880, s1;
	s6 =	sadd.s32 $0x80, s1  }
0x9f: {  	[tilespmem:s5], [sflag:$0x2] =	stream.indirect.gather [spmem:s2], $0x1, s6, s28, $0xb8;
	[tilespmem:$0x1D000] =	vst v63  }
0xa0: {  	s5 =	sadd.s32 $0x6900, s1;
	s6 =	sadd.s32 $0x100, s1  }
0xa1: {  	[tilespmem:s5], [sflag:$0x2] =	stream.indirect.gather [spmem:s2], $0x1, s6, s28, $0xb8;
	[tilespmem:$0x1D000] =	vst v63  }
0xa2: {  	s5 =	sadd.s32 $0x6980, s1;
	s6 =	sadd.s32 $0x180, s1  }
0xa3: {  	[tilespmem:s5], [sflag:$0x2] =	stream.indirect.gather [spmem:s2], $0x1, s6, s28, $0xb8;
	[tilespmem:$0x1D000] =	vst v63  }
0xa4: {  	s5 =	sadd.s32 $0x6A00, s1;
	s6 =	sadd.s32 $0x200, s1  }
0xa5: {  	[tilespmem:s5], [sflag:$0x2] =	stream.indirect.gather [spmem:s2], $0x1, s6, s28, $0xb8;
	[tilespmem:$0x1D000] =	vst v63  }
.Ltmp2:
0xa6: {  	s5 =	sadd.s32 $0x6A80, s1;
	s6 =	sadd.s32 $0x280, s1;
	(pc) =	sbr.rel @p0 .LBB2_6-.Ltmp2, $4  }
0xa7: {  	[tilespmem:s5], [sflag:$0x2] =	stream.indirect.gather [spmem:s2], $0x1, s6, s28, $0xb8;
	[tilespmem:$0x1D000] =	vst v63  }
0xa8: {  	s16 =	sadd.s32 $0x380, s1;
	s5 =	sadd.s32 $0x6B00, s1;
	s6 =	sadd.s32 $0x300, s1  }
0xa9: {  	[tilespmem:s5], [sflag:$0x2] =	stream.indirect.gather [spmem:s2], $0x1, s6, s28, $0xb8;
	[tilespmem:$0x1D000] =	vst v63  }
0xaa: {  	s6 =	sadd.s32 $0x6B80, s1;
	s1 =	smov.u32 s7;
	s5 =	smov.u32 s24  }
0xab: {  	[tilespmem:s6], [sflag:$0x2] =	stream.indirect.gather [spmem:s2], $0x1, s16, s28, $0xb8;
	[tilespmem:$0x1D000] =	vst v63  }
0xac: {  	s5 =	sadd.s32 $0x6800, s1  }
0xad: {  	[tilespmem:s5], [sflag:$0x2] =	stream.indirect.gather [spmem:s2], $0x1, s1, s28, $0xb8;
	[tilespmem:$0x1D000] =	vst v63  }
0xae: {  	s8 =	sadd.s32 $0x6880, s1;
	s9 =	sadd.s32 $0x80, s1  }
0xaf: {  	[tilespmem:s8], [sflag:$0x2] =	stream.indirect.gather [spmem:s2], $0x1, s9, s28, $0xb8;
	[tilespmem:$0x1D000] =	vst v63  }
0xb0: {  	s16 =	sadd.s32 $0x6900, s1;
	s24 =	sadd.s32 $0x100, s1  }
0xb1: {  	[tilespmem:s16], [sflag:$0x2] =	stream.indirect.gather [spmem:s2], $0x1, s24, s28, $0xb8;
	[tilespmem:$0x1D000] =	vst v63  }
0xb2: {  	s6 =	sadd.s32 $0x6980, s1;
	s7 =	sadd.s32 $0x180, s1  }
0xb3: {  	[tilespmem:s6], [sflag:$0x2] =	stream.indirect.gather [spmem:s2], $0x1, s7, s28, $0xb8;
	[tilespmem:$0x1D000] =	vst v63  }
0xb4: {  	s8 =	sadd.s32 $0x6A00, s1;
	s9 =	sadd.s32 $0x200, s1  }
0xb5: {  	[tilespmem:s8], [sflag:$0x2] =	stream.indirect.gather [spmem:s2], $0x1, s9, s28, $0xb8;
	[tilespmem:$0x1D000] =	vst v63  }
0xb6: {  	s16 =	sadd.s32 $0x6A80, s1;
	s24 =	sadd.s32 $0x280, s1  }
0xb7: {  	[tilespmem:s16], [sflag:$0x2] =	stream.indirect.gather [spmem:s2], $0x1, s24, s28, $0xb8;
	[tilespmem:$0x1D000] =	vst v63  }
0xb8: {  	s6 =	sadd.s32 $0x6B00, s1;
	s7 =	sadd.s32 $0x300, s1  }
0xb9: {  	[tilespmem:s6], [sflag:$0x2] =	stream.indirect.gather [spmem:s2], $0x1, s7, s28, $0xb8;
	[tilespmem:$0x1D000] =	vst v63  }
0xba: {  	s8 =	sadd.s32 $0x6B80, s1;
	s9 =	sadd.s32 $0x380, s1  }
0xbb: {  	[tilespmem:s8], [sflag:$0x2] =	stream.indirect.gather [spmem:s2], $0x1, s9, s28, $0xb8;
	[tilespmem:$0x1D000] =	vst v63  }
0xbc: {  	_ =	swait.ge [sflag:s29], $0x6800  }
0xbd: {  	[sflag:s29] =	ssyncset.done $0x0  }
0xbe: {  	s16 =	sadd.s32 $0xFFFFFE40, s4;
	s24 =	simm.s32 $0x6800;
	[sflag:s29] =	ssyncadd.s32 $0xFFFF9800  }
0xbf: {  	[hbm4b:s16+s3] =	stream.linear.scatter [tilespmem:s24], [sflag:$0x3], $0x80, $0x38;
	[tilespmem:$0x1D000] =	vst v63  }
0xc0: {  	s6 =	sadd.s32 $0xFFFFFE80, s4;
	s7 =	simm.s32 $0x6880  }
0xc1: {  	[hbm4b:s6+s3] =	stream.linear.scatter [tilespmem:s7], [sflag:$0x3], $0x80, $0x38;
	[tilespmem:$0x1D000] =	vst v63  }
0xc2: {  	s8 =	sadd.s32 $0xFFFFFEC0, s4;
	s9 =	simm.s32 $0x6900  }
0xc3: {  	[hbm4b:s8+s3] =	stream.linear.scatter [tilespmem:s9], [sflag:$0x3], $0x80, $0x38;
	[tilespmem:$0x1D000] =	vst v63  }
0xc4: {  	s16 =	sadd.s32 $0xFFFFFF00, s4;
	s24 =	simm.s32 $0x6980  }
0xc5: {  	[hbm4b:s16+s3] =	stream.linear.scatter [tilespmem:s24], [sflag:$0x3], $0x80, $0x38;
	[tilespmem:$0x1D000] =	vst v63  }
0xc6: {  	s6 =	sadd.s32 $0xFFFFFF40, s4;
	s7 =	simm.s32 $0x6A00  }
0xc7: {  	[hbm4b:s6+s3] =	stream.linear.scatter [tilespmem:s7], [sflag:$0x3], $0x80, $0x38;
	[tilespmem:$0x1D000] =	vst v63  }
0xc8: {  	s5 =	simm.s32 $0x2000;
	s8 =	sadd.s32 $0xFFFFFF80, s4;
	s9 =	simm.s32 $0x6A80  }
0xc9: {  	[hbm4b:s8+s3] =	stream.linear.scatter [tilespmem:s9], [sflag:$0x3], $0x80, $0x38;
	[tilespmem:$0x1D000] =	vst v63  }
0xca: {  	s1 =	sadd.s32 $0x8000, s4;
	s16 =	sadd.s32 $0xFFFFFFC0, s4;
	s24 =	simm.s32 $0x6B00  }
0xcb: {  	[hbm4b:s16+s3] =	stream.linear.scatter [tilespmem:s24], [sflag:$0x3], $0x80, $0x38;
	[tilespmem:$0x1D000] =	vst v63  }
0xcc: {  	s6 =	simm.s32 $0x6B80;
	s24 =	simm.s32 $0x400;
	s16 =	smov.u32 s4  }
.LBB2_8:
0xcd: {  	[hbm4b:s16+s3] =	stream.linear.scatter [tilespmem:s6], [sflag:$0x3], $0x80, $0x38;
	[tilespmem:$0x1D000] =	vst v63  }
0xce: {  	s6 =	smov.u32 s5;
	s16 =	smov.u32 s1  }
0xcf: {  	s7 =	sshra.s32 s5, $0x2;
	s8 =	sadd.s32 $0x6800, s24;
	s6 =	sadd.s32 $0xFFFFFE40, s1  }
0xd0: {  	[hbm4b:s6+s3] =	stream.linear.scatter [tilespmem:s8], [sflag:$0x3], $0x80, $0x38;
	[tilespmem:$0x1D000] =	vst v63  }
0xd1: {  	s9 =	sadd.s32 $0x6880, s24;
	s8 =	sadd.s32 $0x1000, s5;
	s6 =	sadd.s32 $0xFFFFFE80, s1  }
0xd2: {  	[hbm4b:s6+s3] =	stream.linear.scatter [tilespmem:s9], [sflag:$0x3], $0x80, $0x38;
	[tilespmem:$0x1D000] =	vst v63  }
0xd3: {  	p0 =	sne.s32 s5, $0x19000;
	s5 =	sadd.s32 $0xFFFFFEC0, s1;
	s6 =	sadd.s32 $0x6900, s24  }
0xd4: {  	[hbm4b:s5+s3] =	stream.linear.scatter [tilespmem:s6], [sflag:$0x3], $0x80, $0x38;
	[tilespmem:$0x1D000] =	vst v63  }
0xd5: {  	s5 =	sadd.s32 $0xFFFFFF00, s1;
	s6 =	sadd.s32 $0x6980, s24  }
0xd6: {  	[hbm4b:s5+s3] =	stream.linear.scatter [tilespmem:s6], [sflag:$0x3], $0x80, $0x38;
	[tilespmem:$0x1D000] =	vst v63  }
0xd7: {  	s5 =	sadd.s32 $0xFFFFFF40, s1;
	s6 =	sadd.s32 $0x6A00, s24  }
0xd8: {  	[hbm4b:s5+s3] =	stream.linear.scatter [tilespmem:s6], [sflag:$0x3], $0x80, $0x38;
	[tilespmem:$0x1D000] =	vst v63  }
.Ltmp3:
0xd9: {  	s5 =	sadd.s32 $0xFFFFFF80, s1;
	s6 =	sadd.s32 $0x6A80, s24;
	(pc) =	sbr.rel @p0 .LBB2_8-.Ltmp3, $4  }
0xda: {  	[hbm4b:s5+s3] =	stream.linear.scatter [tilespmem:s6], [sflag:$0x3], $0x80, $0x38;
	[tilespmem:$0x1D000] =	vst v63  }
0xdb: {  	s5 =	sadd.s32 $0xFFFFFFC0, s1;
	s6 =	sadd.s32 $0x6B00, s24;
	s1 =	sadd.s32 $0x8000, s1  }
0xdc: {  	[hbm4b:s5+s3] =	stream.linear.scatter [tilespmem:s6], [sflag:$0x3], $0x80, $0x38;
	[tilespmem:$0x1D000] =	vst v63  }
0xdd: {  	s6 =	sadd.s32 $0x6B80, s24;
	s24 =	smov.u32 s7;
	s5 =	smov.u32 s8  }
0xde: {  	[hbm4b:s16+s3] =	stream.linear.scatter [tilespmem:s6], [sflag:$0x3], $0x80, $0x38;
	[tilespmem:$0x1D000] =	vst v63  }
0xdf: {  	s5 =	sadd.s32 $0xFFFFFE40, s1;
	s8 =	sadd.s32 $0x6800, s24  }
0xe0: {  	[hbm4b:s5+s3] =	stream.linear.scatter [tilespmem:s8], [sflag:$0x3], $0x80, $0x38;
	[tilespmem:$0x1D000] =	vst v63  }
0xe1: {  	s9 =	sadd.s32 $0xFFFFFE80, s1;
	s16 =	sadd.s32 $0x6880, s24  }
0xe2: {  	[hbm4b:s9+s3] =	stream.linear.scatter [tilespmem:s16], [sflag:$0x3], $0x80, $0x38;
	[tilespmem:$0x1D000] =	vst v63  }
0xe3: {  	s7 =	sadd.s32 $0xFFFFFEC0, s1;
	s8 =	sadd.s32 $0x6900, s24  }
0xe4: {  	[hbm4b:s7+s3] =	stream.linear.scatter [tilespmem:s8], [sflag:$0x3], $0x80, $0x38;
	[tilespmem:$0x1D000] =	vst v63  }
0xe5: {  	s9 =	sadd.s32 $0xFFFFFF00, s1;
	s16 =	sadd.s32 $0x6980, s24  }
0xe6: {  	[hbm4b:s9+s3] =	stream.linear.scatter [tilespmem:s16], [sflag:$0x3], $0x80, $0x38;
	[tilespmem:$0x1D000] =	vst v63  }
0xe7: {  	s7 =	sadd.s32 $0xFFFFFF40, s1;
	s8 =	sadd.s32 $0x6A00, s24  }
0xe8: {  	[hbm4b:s7+s3] =	stream.linear.scatter [tilespmem:s8], [sflag:$0x3], $0x80, $0x38;
	[tilespmem:$0x1D000] =	vst v63  }
0xe9: {  	s9 =	sadd.s32 $0xFFFFFF80, s1;
	s16 =	sadd.s32 $0x6A80, s24  }
0xea: {  	[hbm4b:s9+s3] =	stream.linear.scatter [tilespmem:s16], [sflag:$0x3], $0x80, $0x38;
	[tilespmem:$0x1D000] =	vst v63  }
0xeb: {  	s6 =	sadd.s32 $0xFFFFFFC0, s1;
	s7 =	sadd.s32 $0x6B00, s24  }
0xec: {  	[hbm4b:s6+s3] =	stream.linear.scatter [tilespmem:s7], [sflag:$0x3], $0x80, $0x38;
	[tilespmem:$0x1D000] =	vst v63  }
0xed: {  	s8 =	sadd.s32 $0x6B80, s24  }
0xee: {  	[hbm4b:s1+s3] =	stream.linear.scatter [tilespmem:s8], [sflag:$0x3], $0x80, $0x38;
	[tilespmem:$0x1D000] =	vst v63  }
0xef: {  	[bflag:$0x0] =	sbarrier.arrive $0xFFFF  }
0xf0: {  	s9 =	rddreg [dreg:$0x8]  }
0xf1: {  	[spmem:s23], [sflag:s0] =	dma.local [hbm:s9], $0x2000  }
0xf2: {  	_ =	swait.ge [sflag:s26], $0x2000  }
0xf3: {  	[sflag:s26] =	ssyncset.done $0x0  }
0xf4: {  	[sflag:s26] =	ssyncadd.s32 $0xFFFFE000  }
0xf5: {  	[bflag:$0x0] =	sbarrier.arrive $0xFFFF  }
0xf6: {  	_ =	swait.ge [sflag:s30], $0x6800  }
0xf7: {  	[sflag:s30] =	ssyncset.done $0x0  }
0xf8: {  	s24 =	simm.s32 $0x6800;
	s16 =	simm.s32 $0x0;
	[sflag:s30] =	ssyncadd.s32 $0xFFFF9800  }
0xf9: {  	[tilespmem:s24], [sflag:$0x2] =	stream.indirect.gather [spmem:s2], $0x1, s16, s28, $0xb8;
	[tilespmem:$0x1D000] =	vst v63  }
0xfa: {  	s6 =	simm.s32 $0x6880;
	s7 =	simm.s32 $0x80  }
0xfb: {  	[tilespmem:s6], [sflag:$0x2] =	stream.indirect.gather [spmem:s2], $0x1, s7, s28, $0xb8;
	[tilespmem:$0x1D000] =	vst v63  }
0xfc: {  	s8 =	simm.s32 $0x6900;
	s9 =	simm.s32 $0x100  }
0xfd: {  	[tilespmem:s8], [sflag:$0x2] =	stream.indirect.gather [spmem:s2], $0x1, s9, s28, $0xb8;
	[tilespmem:$0x1D000] =	vst v63  }
0xfe: {  	s16 =	simm.s32 $0x6980;
	s24 =	simm.s32 $0x180  }
0xff: {  	[tilespmem:s16], [sflag:$0x2] =	stream.indirect.gather [spmem:s2], $0x1, s24, s28, $0xb8;
	[tilespmem:$0x1D000] =	vst v63  }
0x100: {  	s6 =	simm.s32 $0x6A00;
	s7 =	simm.s32 $0x200  }
0x101: {  	[tilespmem:s6], [sflag:$0x2] =	stream.indirect.gather [spmem:s2], $0x1, s7, s28, $0xb8;
	[tilespmem:$0x1D000] =	vst v63  }
0x102: {  	s8 =	simm.s32 $0x6A80;
	s9 =	simm.s32 $0x280  }
0x103: {  	[tilespmem:s8], [sflag:$0x2] =	stream.indirect.gather [spmem:s2], $0x1, s9, s28, $0xb8;
	[tilespmem:$0x1D000] =	vst v63  }
0x104: {  	s5 =	simm.s32 $0x2000;
	s16 =	simm.s32 $0x6B00;
	s24 =	simm.s32 $0x300  }
0x105: {  	[tilespmem:s16], [sflag:$0x2] =	stream.indirect.gather [spmem:s2], $0x1, s24, s28, $0xb8;
	[tilespmem:$0x1D000] =	vst v63  }
0x106: {  	s1 =	simm.s32 $0x400;
	s6 =	simm.s32 $0x6B80;
	s16 =	simm.s32 $0x380  }
.LBB2_10:
0x107: {  	[tilespmem:s6], [sflag:$0x2] =	stream.indirect.gather [spmem:s2], $0x1, s16, s28, $0xb8;
	[tilespmem:$0x1D000] =	vst v63  }
0x108: {  	s6 =	smov.u32 s5  }
0x109: {  	s8 =	sadd.s32 $0x1000, s5;
	s7 =	sshra.s32 s6, $0x2;
	s6 =	sadd.s32 $0x6800, s1  }
0x10a: {  	[tilespmem:s6], [sflag:$0x2] =	stream.indirect.gather [spmem:s2], $0x1, s1, s28, $0xb8;
	[tilespmem:$0x1D000] =	vst v63  }
0x10b: {  	p0 =	sne.s32 s5, $0x19000;
	s5 =	sadd.s32 $0x6880, s1;
	s6 =	sadd.s32 $0x80, s1  }
0x10c: {  	[tilespmem:s5], [sflag:$0x2] =	stream.indirect.gather [spmem:s2], $0x1, s6, s28, $0xb8;
	[tilespmem:$0x1D000] =	vst v63  }
0x10d: {  	s5 =	sadd.s32 $0x6900, s1;
	s6 =	sadd.s32 $0x100, s1  }
0x10e: {  	[tilespmem:s5], [sflag:$0x2] =	stream.indirect.gather [spmem:s2], $0x1, s6, s28, $0xb8;
	[tilespmem:$0x1D000] =	vst v63  }
0x10f: {  	s5 =	sadd.s32 $0x6980, s1;
	s6 =	sadd.s32 $0x180, s1  }
0x110: {  	[tilespmem:s5], [sflag:$0x2] =	stream.indirect.gather [spmem:s2], $0x1, s6, s28, $0xb8;
	[tilespmem:$0x1D000] =	vst v63  }
0x111: {  	s5 =	sadd.s32 $0x6A00, s1;
	s6 =	sadd.s32 $0x200, s1  }
0x112: {  	[tilespmem:s5], [sflag:$0x2] =	stream.indirect.gather [spmem:s2], $0x1, s6, s28, $0xb8;
	[tilespmem:$0x1D000] =	vst v63  }
.Ltmp4:
0x113: {  	s5 =	sadd.s32 $0x6A80, s1;
	s6 =	sadd.s32 $0x280, s1;
	(pc) =	sbr.rel @p0 .LBB2_10-.Ltmp4, $4  }
0x114: {  	[tilespmem:s5], [sflag:$0x2] =	stream.indirect.gather [spmem:s2], $0x1, s6, s28, $0xb8;
	[tilespmem:$0x1D000] =	vst v63  }
0x115: {  	s16 =	sadd.s32 $0x380, s1;
	s5 =	sadd.s32 $0x6B00, s1;
	s6 =	sadd.s32 $0x300, s1  }
0x116: {  	[tilespmem:s5], [sflag:$0x2] =	stream.indirect.gather [spmem:s2], $0x1, s6, s28, $0xb8;
	[tilespmem:$0x1D000] =	vst v63  }
0x117: {  	s6 =	sadd.s32 $0x6B80, s1;
	s1 =	smov.u32 s7;
	s5 =	smov.u32 s8  }
0x118: {  	[tilespmem:s6], [sflag:$0x2] =	stream.indirect.gather [spmem:s2], $0x1, s16, s28, $0xb8;
	[tilespmem:$0x1D000] =	vst v63  }
0x119: {  	s5 =	sadd.s32 $0x6800, s1  }
0x11a: {  	[tilespmem:s5], [sflag:$0x2] =	stream.indirect.gather [spmem:s2], $0x1, s1, s28, $0xb8;
	[tilespmem:$0x1D000] =	vst v63  }
0x11b: {  	s8 =	sadd.s32 $0x6880, s1;
	s9 =	sadd.s32 $0x80, s1  }
0x11c: {  	[tilespmem:s8], [sflag:$0x2] =	stream.indirect.gather [spmem:s2], $0x1, s9, s28, $0xb8;
	[tilespmem:$0x1D000] =	vst v63  }
0x11d: {  	s16 =	sadd.s32 $0x6900, s1;
	s24 =	sadd.s32 $0x100, s1  }
0x11e: {  	[tilespmem:s16], [sflag:$0x2] =	stream.indirect.gather [spmem:s2], $0x1, s24, s28, $0xb8;
	[tilespmem:$0x1D000] =	vst v63  }
0x11f: {  	s6 =	sadd.s32 $0x6980, s1;
	s7 =	sadd.s32 $0x180, s1  }
0x120: {  	[tilespmem:s6], [sflag:$0x2] =	stream.indirect.gather [spmem:s2], $0x1, s7, s28, $0xb8;
	[tilespmem:$0x1D000] =	vst v63  }
0x121: {  	s8 =	sadd.s32 $0x6A00, s1;
	s9 =	sadd.s32 $0x200, s1  }
0x122: {  	[tilespmem:s8], [sflag:$0x2] =	stream.indirect.gather [spmem:s2], $0x1, s9, s28, $0xb8;
	[tilespmem:$0x1D000] =	vst v63  }
0x123: {  	s16 =	sadd.s32 $0x6A80, s1;
	s24 =	sadd.s32 $0x280, s1  }
0x124: {  	[tilespmem:s16], [sflag:$0x2] =	stream.indirect.gather [spmem:s2], $0x1, s24, s28, $0xb8;
	[tilespmem:$0x1D000] =	vst v63  }
0x125: {  	s6 =	sadd.s32 $0x6B00, s1;
	s7 =	sadd.s32 $0x300, s1  }
0x126: {  	[tilespmem:s6], [sflag:$0x2] =	stream.indirect.gather [spmem:s2], $0x1, s7, s28, $0xb8;
	[tilespmem:$0x1D000] =	vst v63  }
0x127: {  	s8 =	sadd.s32 $0x6B80, s1;
	s9 =	sadd.s32 $0x380, s1  }
0x128: {  	[tilespmem:s8], [sflag:$0x2] =	stream.indirect.gather [spmem:s2], $0x1, s9, s28, $0xb8;
	[tilespmem:$0x1D000] =	vst v63  }
0x129: {  	_ =	swait.ge [sflag:s29], $0x6800  }
0x12a: {  	[sflag:s29] =	ssyncset.done $0x0  }
0x12b: {  	s16 =	sadd.s32 $0xFFFFFE40, s17;
	s24 =	simm.s32 $0x6800;
	[sflag:s29] =	ssyncadd.s32 $0xFFFF9800  }
0x12c: {  	[hbm4b:s16+s3] =	stream.linear.scatter [tilespmem:s24], [sflag:$0x3], $0x80, $0x38;
	[tilespmem:$0x1D000] =	vst v63  }
0x12d: {  	s6 =	sadd.s32 $0xFFFFFE80, s17;
	s7 =	simm.s32 $0x6880  }
0x12e: {  	[hbm4b:s6+s3] =	stream.linear.scatter [tilespmem:s7], [sflag:$0x3], $0x80, $0x38;
	[tilespmem:$0x1D000] =	vst v63  }
0x12f: {  	s8 =	sadd.s32 $0xFFFFFEC0, s17;
	s9 =	simm.s32 $0x6900  }
0x130: {  	[hbm4b:s8+s3] =	stream.linear.scatter [tilespmem:s9], [sflag:$0x3], $0x80, $0x38;
	[tilespmem:$0x1D000] =	vst v63  }
0x131: {  	s16 =	sadd.s32 $0xFFFFFF00, s17;
	s24 =	simm.s32 $0x6980  }
0x132: {  	[hbm4b:s16+s3] =	stream.linear.scatter [tilespmem:s24], [sflag:$0x3], $0x80, $0x38;
	[tilespmem:$0x1D000] =	vst v63  }
0x133: {  	s6 =	sadd.s32 $0xFFFFFF40, s17;
	s7 =	simm.s32 $0x6A00  }
0x134: {  	[hbm4b:s6+s3] =	stream.linear.scatter [tilespmem:s7], [sflag:$0x3], $0x80, $0x38;
	[tilespmem:$0x1D000] =	vst v63  }
0x135: {  	s5 =	simm.s32 $0x2000;
	s8 =	sadd.s32 $0xFFFFFF80, s17;
	s9 =	simm.s32 $0x6A80  }
0x136: {  	[hbm4b:s8+s3] =	stream.linear.scatter [tilespmem:s9], [sflag:$0x3], $0x80, $0x38;
	[tilespmem:$0x1D000] =	vst v63  }
0x137: {  	s1 =	sadd.s32 $0x8000, s17;
	s16 =	sadd.s32 $0xFFFFFFC0, s17;
	s24 =	simm.s32 $0x6B00  }
0x138: {  	[hbm4b:s16+s3] =	stream.linear.scatter [tilespmem:s24], [sflag:$0x3], $0x80, $0x38;
	[tilespmem:$0x1D000] =	vst v63  }
0x139: {  	s6 =	simm.s32 $0x6B80;
	s24 =	simm.s32 $0x400;
	s16 =	smov.u32 s17  }
.LBB2_12:
0x13a: {  	[hbm4b:s16+s3] =	stream.linear.scatter [tilespmem:s6], [sflag:$0x3], $0x80, $0x38;
	[tilespmem:$0x1D000] =	vst v63  }
0x13b: {  	s6 =	smov.u32 s5;
	s16 =	smov.u32 s1  }
0x13c: {  	s7 =	sshra.s32 s5, $0x2;
	s8 =	sadd.s32 $0x6800, s24;
	s6 =	sadd.s32 $0xFFFFFE40, s1  }
0x13d: {  	[hbm4b:s6+s3] =	stream.linear.scatter [tilespmem:s8], [sflag:$0x3], $0x80, $0x38;
	[tilespmem:$0x1D000] =	vst v63  }
0x13e: {  	s9 =	sadd.s32 $0x6880, s24;
	s8 =	sadd.s32 $0x1000, s5;
	s6 =	sadd.s32 $0xFFFFFE80, s1  }
0x13f: {  	[hbm4b:s6+s3] =	stream.linear.scatter [tilespmem:s9], [sflag:$0x3], $0x80, $0x38;
	[tilespmem:$0x1D000] =	vst v63  }
0x140: {  	p0 =	sne.s32 s5, $0x19000;
	s5 =	sadd.s32 $0xFFFFFEC0, s1;
	s6 =	sadd.s32 $0x6900, s24  }
0x141: {  	[hbm4b:s5+s3] =	stream.linear.scatter [tilespmem:s6], [sflag:$0x3], $0x80, $0x38;
	[tilespmem:$0x1D000] =	vst v63  }
0x142: {  	s5 =	sadd.s32 $0xFFFFFF00, s1;
	s6 =	sadd.s32 $0x6980, s24  }
0x143: {  	[hbm4b:s5+s3] =	stream.linear.scatter [tilespmem:s6], [sflag:$0x3], $0x80, $0x38;
	[tilespmem:$0x1D000] =	vst v63  }
0x144: {  	s5 =	sadd.s32 $0xFFFFFF40, s1;
	s6 =	sadd.s32 $0x6A00, s24  }
0x145: {  	[hbm4b:s5+s3] =	stream.linear.scatter [tilespmem:s6], [sflag:$0x3], $0x80, $0x38;
	[tilespmem:$0x1D000] =	vst v63  }
.Ltmp5:
0x146: {  	s5 =	sadd.s32 $0xFFFFFF80, s1;
	s6 =	sadd.s32 $0x6A80, s24;
	(pc) =	sbr.rel @p0 .LBB2_12-.Ltmp5, $4  }
0x147: {  	[hbm4b:s5+s3] =	stream.linear.scatter [tilespmem:s6], [sflag:$0x3], $0x80, $0x38;
	[tilespmem:$0x1D000] =	vst v63  }
0x148: {  	s5 =	sadd.s32 $0xFFFFFFC0, s1;
	s6 =	sadd.s32 $0x6B00, s24;
	s1 =	sadd.s32 $0x8000, s1  }
0x149: {  	[hbm4b:s5+s3] =	stream.linear.scatter [tilespmem:s6], [sflag:$0x3], $0x80, $0x38;
	[tilespmem:$0x1D000] =	vst v63  }
0x14a: {  	s6 =	sadd.s32 $0x6B80, s24;
	s24 =	smov.u32 s7;
	s5 =	smov.u32 s8  }
0x14b: {  	[hbm4b:s16+s3] =	stream.linear.scatter [tilespmem:s6], [sflag:$0x3], $0x80, $0x38;
	[tilespmem:$0x1D000] =	vst v63  }
0x14c: {  	s5 =	sadd.s32 $0xFFFFFE40, s1;
	s8 =	sadd.s32 $0x6800, s24  }
0x14d: {  	[hbm4b:s5+s3] =	stream.linear.scatter [tilespmem:s8], [sflag:$0x3], $0x80, $0x38;
	[tilespmem:$0x1D000] =	vst v63  }
0x14e: {  	s9 =	sadd.s32 $0xFFFFFE80, s1;
	s16 =	sadd.s32 $0x6880, s24  }
0x14f: {  	[hbm4b:s9+s3] =	stream.linear.scatter [tilespmem:s16], [sflag:$0x3], $0x80, $0x38;
	[tilespmem:$0x1D000] =	vst v63  }
0x150: {  	s7 =	sadd.s32 $0xFFFFFEC0, s1;
	s8 =	sadd.s32 $0x6900, s24  }
0x151: {  	[hbm4b:s7+s3] =	stream.linear.scatter [tilespmem:s8], [sflag:$0x3], $0x80, $0x38;
	[tilespmem:$0x1D000] =	vst v63  }
0x152: {  	s9 =	sadd.s32 $0xFFFFFF00, s1;
	s16 =	sadd.s32 $0x6980, s24  }
0x153: {  	[hbm4b:s9+s3] =	stream.linear.scatter [tilespmem:s16], [sflag:$0x3], $0x80, $0x38;
	[tilespmem:$0x1D000] =	vst v63  }
0x154: {  	s7 =	sadd.s32 $0xFFFFFF40, s1;
	s8 =	sadd.s32 $0x6A00, s24  }
0x155: {  	[hbm4b:s7+s3] =	stream.linear.scatter [tilespmem:s8], [sflag:$0x3], $0x80, $0x38;
	[tilespmem:$0x1D000] =	vst v63  }
0x156: {  	s9 =	sadd.s32 $0xFFFFFF80, s1;
	s16 =	sadd.s32 $0x6A80, s24  }
0x157: {  	[hbm4b:s9+s3] =	stream.linear.scatter [tilespmem:s16], [sflag:$0x3], $0x80, $0x38;
	[tilespmem:$0x1D000] =	vst v63  }
0x158: {  	s6 =	sadd.s32 $0xFFFFFFC0, s1;
	s7 =	sadd.s32 $0x6B00, s24  }
0x159: {  	[hbm4b:s6+s3] =	stream.linear.scatter [tilespmem:s7], [sflag:$0x3], $0x80, $0x38;
	[tilespmem:$0x1D000] =	vst v63  }
0x15a: {  	s8 =	sadd.s32 $0x6B80, s24  }
0x15b: {  	[hbm4b:s1+s3] =	stream.linear.scatter [tilespmem:s8], [sflag:$0x3], $0x80, $0x38;
	[tilespmem:$0x1D000] =	vst v63  }
0x15c: {  	[bflag:$0x0] =	sbarrier.arrive $0xFFFF  }
0x15d: {  	s9 =	rddreg [dreg:$0x9]  }
0x15e: {  	[spmem:s23], [sflag:s0] =	dma.local [hbm:s9], $0x2000  }
0x15f: {  	_ =	swait.ge [sflag:s26], $0x2000  }
0x160: {  	[sflag:s26] =	ssyncset.done $0x0  }
0x161: {  	[sflag:s26] =	ssyncadd.s32 $0xFFFFE000  }
0x162: {  	[bflag:$0x0] =	sbarrier.arrive $0xFFFF  }
0x163: {  	_ =	swait.ge [sflag:s30], $0x6800  }
0x164: {  	[sflag:s30] =	ssyncset.done $0x0  }
0x165: {  	s24 =	simm.s32 $0x6800;
	s16 =	simm.s32 $0x0;
	[sflag:s30] =	ssyncadd.s32 $0xFFFF9800  }
0x166: {  	[tilespmem:s24], [sflag:$0x2] =	stream.indirect.gather [spmem:s2], $0x1, s16, s28, $0xb8;
	[tilespmem:$0x1D000] =	vst v63  }
0x167: {  	s6 =	simm.s32 $0x6880;
	s7 =	simm.s32 $0x80  }
0x168: {  	[tilespmem:s6], [sflag:$0x2] =	stream.indirect.gather [spmem:s2], $0x1, s7, s28, $0xb8;
	[tilespmem:$0x1D000] =	vst v63  }
0x169: {  	s8 =	simm.s32 $0x6900;
	s9 =	simm.s32 $0x100  }
0x16a: {  	[tilespmem:s8], [sflag:$0x2] =	stream.indirect.gather [spmem:s2], $0x1, s9, s28, $0xb8;
	[tilespmem:$0x1D000] =	vst v63  }
0x16b: {  	s16 =	simm.s32 $0x6980;
	s24 =	simm.s32 $0x180  }
0x16c: {  	[tilespmem:s16], [sflag:$0x2] =	stream.indirect.gather [spmem:s2], $0x1, s24, s28, $0xb8;
	[tilespmem:$0x1D000] =	vst v63  }
0x16d: {  	s6 =	simm.s32 $0x6A00;
	s7 =	simm.s32 $0x200  }
0x16e: {  	[tilespmem:s6], [sflag:$0x2] =	stream.indirect.gather [spmem:s2], $0x1, s7, s28, $0xb8;
	[tilespmem:$0x1D000] =	vst v63  }
0x16f: {  	s8 =	simm.s32 $0x6A80;
	s9 =	simm.s32 $0x280  }
0x170: {  	[tilespmem:s8], [sflag:$0x2] =	stream.indirect.gather [spmem:s2], $0x1, s9, s28, $0xb8;
	[tilespmem:$0x1D000] =	vst v63  }
0x171: {  	s5 =	simm.s32 $0x2000;
	s16 =	simm.s32 $0x6B00;
	s24 =	simm.s32 $0x300  }
0x172: {  	[tilespmem:s16], [sflag:$0x2] =	stream.indirect.gather [spmem:s2], $0x1, s24, s28, $0xb8;
	[tilespmem:$0x1D000] =	vst v63  }
0x173: {  	s1 =	simm.s32 $0x400;
	s6 =	simm.s32 $0x6B80;
	s16 =	simm.s32 $0x380  }
.LBB2_14:
0x174: {  	[tilespmem:s6], [sflag:$0x2] =	stream.indirect.gather [spmem:s2], $0x1, s16, s28, $0xb8;
	[tilespmem:$0x1D000] =	vst v63  }
0x175: {  	s6 =	smov.u32 s5  }
0x176: {  	s8 =	sadd.s32 $0x1000, s5;
	s7 =	sshra.s32 s6, $0x2;
	s6 =	sadd.s32 $0x6800, s1  }
0x177: {  	[tilespmem:s6], [sflag:$0x2] =	stream.indirect.gather [spmem:s2], $0x1, s1, s28, $0xb8;
	[tilespmem:$0x1D000] =	vst v63  }
0x178: {  	p0 =	sne.s32 s5, $0x19000;
	s5 =	sadd.s32 $0x6880, s1;
	s6 =	sadd.s32 $0x80, s1  }
0x179: {  	[tilespmem:s5], [sflag:$0x2] =	stream.indirect.gather [spmem:s2], $0x1, s6, s28, $0xb8;
	[tilespmem:$0x1D000] =	vst v63  }
0x17a: {  	s5 =	sadd.s32 $0x6900, s1;
	s6 =	sadd.s32 $0x100, s1  }
0x17b: {  	[tilespmem:s5], [sflag:$0x2] =	stream.indirect.gather [spmem:s2], $0x1, s6, s28, $0xb8;
	[tilespmem:$0x1D000] =	vst v63  }
0x17c: {  	s5 =	sadd.s32 $0x6980, s1;
	s6 =	sadd.s32 $0x180, s1  }
0x17d: {  	[tilespmem:s5], [sflag:$0x2] =	stream.indirect.gather [spmem:s2], $0x1, s6, s28, $0xb8;
	[tilespmem:$0x1D000] =	vst v63  }
0x17e: {  	s5 =	sadd.s32 $0x6A00, s1;
	s6 =	sadd.s32 $0x200, s1  }
0x17f: {  	[tilespmem:s5], [sflag:$0x2] =	stream.indirect.gather [spmem:s2], $0x1, s6, s28, $0xb8;
	[tilespmem:$0x1D000] =	vst v63  }
.Ltmp6:
0x180: {  	s5 =	sadd.s32 $0x6A80, s1;
	s6 =	sadd.s32 $0x280, s1;
	(pc) =	sbr.rel @p0 .LBB2_14-.Ltmp6, $4  }
0x181: {  	[tilespmem:s5], [sflag:$0x2] =	stream.indirect.gather [spmem:s2], $0x1, s6, s28, $0xb8;
	[tilespmem:$0x1D000] =	vst v63  }
0x182: {  	s16 =	sadd.s32 $0x380, s1;
	s5 =	sadd.s32 $0x6B00, s1;
	s6 =	sadd.s32 $0x300, s1  }
0x183: {  	[tilespmem:s5], [sflag:$0x2] =	stream.indirect.gather [spmem:s2], $0x1, s6, s28, $0xb8;
	[tilespmem:$0x1D000] =	vst v63  }
0x184: {  	s6 =	sadd.s32 $0x6B80, s1;
	s1 =	smov.u32 s7;
	s5 =	smov.u32 s8  }
0x185: {  	[tilespmem:s6], [sflag:$0x2] =	stream.indirect.gather [spmem:s2], $0x1, s16, s28, $0xb8;
	[tilespmem:$0x1D000] =	vst v63  }
0x186: {  	s5 =	sadd.s32 $0x6800, s1  }
0x187: {  	[tilespmem:s5], [sflag:$0x2] =	stream.indirect.gather [spmem:s2], $0x1, s1, s28, $0xb8;
	[tilespmem:$0x1D000] =	vst v63  }
0x188: {  	s8 =	sadd.s32 $0x6880, s1;
	s9 =	sadd.s32 $0x80, s1  }
0x189: {  	[tilespmem:s8], [sflag:$0x2] =	stream.indirect.gather [spmem:s2], $0x1, s9, s28, $0xb8;
	[tilespmem:$0x1D000] =	vst v63  }
0x18a: {  	s16 =	sadd.s32 $0x6900, s1;
	s24 =	sadd.s32 $0x100, s1  }
0x18b: {  	[tilespmem:s16], [sflag:$0x2] =	stream.indirect.gather [spmem:s2], $0x1, s24, s28, $0xb8;
	[tilespmem:$0x1D000] =	vst v63  }
0x18c: {  	s6 =	sadd.s32 $0x6980, s1;
	s7 =	sadd.s32 $0x180, s1  }
0x18d: {  	[tilespmem:s6], [sflag:$0x2] =	stream.indirect.gather [spmem:s2], $0x1, s7, s28, $0xb8;
	[tilespmem:$0x1D000] =	vst v63  }
0x18e: {  	s8 =	sadd.s32 $0x6A00, s1;
	s9 =	sadd.s32 $0x200, s1  }
0x18f: {  	[tilespmem:s8], [sflag:$0x2] =	stream.indirect.gather [spmem:s2], $0x1, s9, s28, $0xb8;
	[tilespmem:$0x1D000] =	vst v63  }
0x190: {  	s16 =	sadd.s32 $0x6A80, s1;
	s24 =	sadd.s32 $0x280, s1  }
0x191: {  	[tilespmem:s16], [sflag:$0x2] =	stream.indirect.gather [spmem:s2], $0x1, s24, s28, $0xb8;
	[tilespmem:$0x1D000] =	vst v63  }
0x192: {  	s6 =	sadd.s32 $0x6B00, s1;
	s7 =	sadd.s32 $0x300, s1  }
0x193: {  	[tilespmem:s6], [sflag:$0x2] =	stream.indirect.gather [spmem:s2], $0x1, s7, s28, $0xb8;
	[tilespmem:$0x1D000] =	vst v63  }
0x194: {  	s8 =	sadd.s32 $0x6B80, s1;
	s9 =	sadd.s32 $0x380, s1  }
0x195: {  	[tilespmem:s8], [sflag:$0x2] =	stream.indirect.gather [spmem:s2], $0x1, s9, s28, $0xb8;
	[tilespmem:$0x1D000] =	vst v63  }
0x196: {  	_ =	swait.ge [sflag:s29], $0x6800  }
0x197: {  	[sflag:s29] =	ssyncset.done $0x0  }
0x198: {  	s16 =	sadd.s32 $0xFFFFFE40, s18;
	s24 =	simm.s32 $0x6800;
	[sflag:s29] =	ssyncadd.s32 $0xFFFF9800  }
0x199: {  	[hbm4b:s16+s3] =	stream.linear.scatter [tilespmem:s24], [sflag:$0x3], $0x80, $0x38;
	[tilespmem:$0x1D000] =	vst v63  }
0x19a: {  	s6 =	sadd.s32 $0xFFFFFE80, s18;
	s7 =	simm.s32 $0x6880  }
0x19b: {  	[hbm4b:s6+s3] =	stream.linear.scatter [tilespmem:s7], [sflag:$0x3], $0x80, $0x38;
	[tilespmem:$0x1D000] =	vst v63  }
0x19c: {  	s8 =	sadd.s32 $0xFFFFFEC0, s18;
	s9 =	simm.s32 $0x6900  }
0x19d: {  	[hbm4b:s8+s3] =	stream.linear.scatter [tilespmem:s9], [sflag:$0x3], $0x80, $0x38;
	[tilespmem:$0x1D000] =	vst v63  }
0x19e: {  	s16 =	sadd.s32 $0xFFFFFF00, s18;
	s24 =	simm.s32 $0x6980  }
0x19f: {  	[hbm4b:s16+s3] =	stream.linear.scatter [tilespmem:s24], [sflag:$0x3], $0x80, $0x38;
	[tilespmem:$0x1D000] =	vst v63  }
0x1a0: {  	s6 =	sadd.s32 $0xFFFFFF40, s18;
	s7 =	simm.s32 $0x6A00  }
0x1a1: {  	[hbm4b:s6+s3] =	stream.linear.scatter [tilespmem:s7], [sflag:$0x3], $0x80, $0x38;
	[tilespmem:$0x1D000] =	vst v63  }
0x1a2: {  	s5 =	simm.s32 $0x2000;
	s8 =	sadd.s32 $0xFFFFFF80, s18;
	s9 =	simm.s32 $0x6A80  }
0x1a3: {  	[hbm4b:s8+s3] =	stream.linear.scatter [tilespmem:s9], [sflag:$0x3], $0x80, $0x38;
	[tilespmem:$0x1D000] =	vst v63  }
0x1a4: {  	s1 =	sadd.s32 $0x8000, s18;
	s16 =	sadd.s32 $0xFFFFFFC0, s18;
	s24 =	simm.s32 $0x6B00  }
0x1a5: {  	[hbm4b:s16+s3] =	stream.linear.scatter [tilespmem:s24], [sflag:$0x3], $0x80, $0x38;
	[tilespmem:$0x1D000] =	vst v63  }
0x1a6: {  	s6 =	simm.s32 $0x6B80;
	s24 =	simm.s32 $0x400;
	s16 =	smov.u32 s18  }
.LBB2_16:
0x1a7: {  	[hbm4b:s16+s3] =	stream.linear.scatter [tilespmem:s6], [sflag:$0x3], $0x80, $0x38;
	[tilespmem:$0x1D000] =	vst v63  }
0x1a8: {  	s6 =	smov.u32 s5;
	s16 =	smov.u32 s1  }
0x1a9: {  	s7 =	sshra.s32 s5, $0x2;
	s8 =	sadd.s32 $0x6800, s24;
	s6 =	sadd.s32 $0xFFFFFE40, s1  }
0x1aa: {  	[hbm4b:s6+s3] =	stream.linear.scatter [tilespmem:s8], [sflag:$0x3], $0x80, $0x38;
	[tilespmem:$0x1D000] =	vst v63  }
0x1ab: {  	s9 =	sadd.s32 $0x6880, s24;
	s8 =	sadd.s32 $0x1000, s5;
	s6 =	sadd.s32 $0xFFFFFE80, s1  }
0x1ac: {  	[hbm4b:s6+s3] =	stream.linear.scatter [tilespmem:s9], [sflag:$0x3], $0x80, $0x38;
	[tilespmem:$0x1D000] =	vst v63  }
0x1ad: {  	p0 =	sne.s32 s5, $0x19000;
	s5 =	sadd.s32 $0xFFFFFEC0, s1;
	s6 =	sadd.s32 $0x6900, s24  }
0x1ae: {  	[hbm4b:s5+s3] =	stream.linear.scatter [tilespmem:s6], [sflag:$0x3], $0x80, $0x38;
	[tilespmem:$0x1D000] =	vst v63  }
0x1af: {  	s5 =	sadd.s32 $0xFFFFFF00, s1;
	s6 =	sadd.s32 $0x6980, s24  }
0x1b0: {  	[hbm4b:s5+s3] =	stream.linear.scatter [tilespmem:s6], [sflag:$0x3], $0x80, $0x38;
	[tilespmem:$0x1D000] =	vst v63  }
0x1b1: {  	s5 =	sadd.s32 $0xFFFFFF40, s1;
	s6 =	sadd.s32 $0x6A00, s24  }
0x1b2: {  	[hbm4b:s5+s3] =	stream.linear.scatter [tilespmem:s6], [sflag:$0x3], $0x80, $0x38;
	[tilespmem:$0x1D000] =	vst v63  }
.Ltmp7:
0x1b3: {  	s5 =	sadd.s32 $0xFFFFFF80, s1;
	s6 =	sadd.s32 $0x6A80, s24;
	(pc) =	sbr.rel @p0 .LBB2_16-.Ltmp7, $4  }
0x1b4: {  	[hbm4b:s5+s3] =	stream.linear.scatter [tilespmem:s6], [sflag:$0x3], $0x80, $0x38;
	[tilespmem:$0x1D000] =	vst v63  }
0x1b5: {  	s5 =	sadd.s32 $0xFFFFFFC0, s1;
	s6 =	sadd.s32 $0x6B00, s24;
	s1 =	sadd.s32 $0x8000, s1  }
0x1b6: {  	[hbm4b:s5+s3] =	stream.linear.scatter [tilespmem:s6], [sflag:$0x3], $0x80, $0x38;
	[tilespmem:$0x1D000] =	vst v63  }
0x1b7: {  	s6 =	sadd.s32 $0x6B80, s24;
	s24 =	smov.u32 s7;
	s5 =	smov.u32 s8  }
0x1b8: {  	[hbm4b:s16+s3] =	stream.linear.scatter [tilespmem:s6], [sflag:$0x3], $0x80, $0x38;
	[tilespmem:$0x1D000] =	vst v63  }
0x1b9: {  	s5 =	sadd.s32 $0xFFFFFE40, s1;
	s8 =	sadd.s32 $0x6800, s24  }
0x1ba: {  	[hbm4b:s5+s3] =	stream.linear.scatter [tilespmem:s8], [sflag:$0x3], $0x80, $0x38;
	[tilespmem:$0x1D000] =	vst v63  }
0x1bb: {  	s9 =	sadd.s32 $0xFFFFFE80, s1;
	s16 =	sadd.s32 $0x6880, s24  }
0x1bc: {  	[hbm4b:s9+s3] =	stream.linear.scatter [tilespmem:s16], [sflag:$0x3], $0x80, $0x38;
	[tilespmem:$0x1D000] =	vst v63  }
0x1bd: {  	s7 =	sadd.s32 $0xFFFFFEC0, s1;
	s8 =	sadd.s32 $0x6900, s24  }
0x1be: {  	[hbm4b:s7+s3] =	stream.linear.scatter [tilespmem:s8], [sflag:$0x3], $0x80, $0x38;
	[tilespmem:$0x1D000] =	vst v63  }
0x1bf: {  	s9 =	sadd.s32 $0xFFFFFF00, s1;
	s16 =	sadd.s32 $0x6980, s24  }
0x1c0: {  	[hbm4b:s9+s3] =	stream.linear.scatter [tilespmem:s16], [sflag:$0x3], $0x80, $0x38;
	[tilespmem:$0x1D000] =	vst v63  }
0x1c1: {  	s7 =	sadd.s32 $0xFFFFFF40, s1;
	s8 =	sadd.s32 $0x6A00, s24  }
0x1c2: {  	[hbm4b:s7+s3] =	stream.linear.scatter [tilespmem:s8], [sflag:$0x3], $0x80, $0x38;
	[tilespmem:$0x1D000] =	vst v63  }
0x1c3: {  	s9 =	sadd.s32 $0xFFFFFF80, s1;
	s16 =	sadd.s32 $0x6A80, s24  }
0x1c4: {  	[hbm4b:s9+s3] =	stream.linear.scatter [tilespmem:s16], [sflag:$0x3], $0x80, $0x38;
	[tilespmem:$0x1D000] =	vst v63  }
0x1c5: {  	s7 =	sadd.s32 $0xFFFFFFC0, s1;
	s8 =	sadd.s32 $0x6B00, s24  }
0x1c6: {  	[hbm4b:s7+s3] =	stream.linear.scatter [tilespmem:s8], [sflag:$0x3], $0x80, $0x38;
	[tilespmem:$0x1D000] =	vst v63  }
0x1c7: {  	s9 =	sadd.s32 $0x6B80, s24  }
0x1c8: {  	[hbm4b:s1+s3] =	stream.linear.scatter [tilespmem:s9], [sflag:$0x3], $0x80, $0x38;
	[tilespmem:$0x1D000] =	vst v63  }
0x1c9: {  	[bflag:$0x0] =	sbarrier.arrive $0xFFFF  }
0x1ca: {  	[spmem:s23], [sflag:s0] =	dma.local [hbm:s10], $0x2000  }
0x1cb: {  	_ =	swait.ge [sflag:s26], $0x2000  }
0x1cc: {  	[sflag:s26] =	ssyncset.done $0x0  }
0x1cd: {  	[sflag:s26] =	ssyncadd.s32 $0xFFFFE000  }
0x1ce: {  	[bflag:$0x0] =	sbarrier.arrive $0xFFFF  }
0x1cf: {  	_ =	swait.ge [sflag:s30], $0x6800  }
0x1d0: {  	[sflag:s30] =	ssyncset.done $0x0  }
0x1d1: {  	s16 =	simm.s32 $0x0;
	s24 =	simm.s32 $0x6800;
	[sflag:s30] =	ssyncadd.s32 $0xFFFF9800  }
0x1d2: {  	[tilespmem:s24], [sflag:$0x2] =	stream.indirect.gather [spmem:s2], $0x1, s16, s28, $0xb8;
	[tilespmem:$0x1D000] =	vst v63  }
0x1d3: {  	s6 =	simm.s32 $0x6880;
	s7 =	simm.s32 $0x80  }
0x1d4: {  	[tilespmem:s6], [sflag:$0x2] =	stream.indirect.gather [spmem:s2], $0x1, s7, s28, $0xb8;
	[tilespmem:$0x1D000] =	vst v63  }
0x1d5: {  	s8 =	simm.s32 $0x6900;
	s9 =	simm.s32 $0x100  }
0x1d6: {  	[tilespmem:s8], [sflag:$0x2] =	stream.indirect.gather [spmem:s2], $0x1, s9, s28, $0xb8;
	[tilespmem:$0x1D000] =	vst v63  }
0x1d7: {  	s16 =	simm.s32 $0x6980;
	s24 =	simm.s32 $0x180  }
0x1d8: {  	[tilespmem:s16], [sflag:$0x2] =	stream.indirect.gather [spmem:s2], $0x1, s24, s28, $0xb8;
	[tilespmem:$0x1D000] =	vst v63  }
0x1d9: {  	s6 =	simm.s32 $0x6A00;
	s7 =	simm.s32 $0x200  }
0x1da: {  	[tilespmem:s6], [sflag:$0x2] =	stream.indirect.gather [spmem:s2], $0x1, s7, s28, $0xb8;
	[tilespmem:$0x1D000] =	vst v63  }
0x1db: {  	s8 =	simm.s32 $0x6A80;
	s9 =	simm.s32 $0x280  }
0x1dc: {  	[tilespmem:s8], [sflag:$0x2] =	stream.indirect.gather [spmem:s2], $0x1, s9, s28, $0xb8;
	[tilespmem:$0x1D000] =	vst v63  }
0x1dd: {  	s5 =	simm.s32 $0x2000;
	s16 =	simm.s32 $0x6B00;
	s24 =	simm.s32 $0x300  }
0x1de: {  	[tilespmem:s16], [sflag:$0x2] =	stream.indirect.gather [spmem:s2], $0x1, s24, s28, $0xb8;
	[tilespmem:$0x1D000] =	vst v63  }
0x1df: {  	s1 =	simm.s32 $0x400;
	s6 =	simm.s32 $0x6B80;
	s16 =	simm.s32 $0x380  }
.LBB2_18:
0x1e0: {  	[tilespmem:s6], [sflag:$0x2] =	stream.indirect.gather [spmem:s2], $0x1, s16, s28, $0xb8;
	[tilespmem:$0x1D000] =	vst v63  }
0x1e1: {  	s6 =	smov.u32 s5  }
0x1e2: {  	s8 =	sadd.s32 $0x1000, s5;
	s7 =	sshra.s32 s6, $0x2;
	s6 =	sadd.s32 $0x6800, s1  }
0x1e3: {  	[tilespmem:s6], [sflag:$0x2] =	stream.indirect.gather [spmem:s2], $0x1, s1, s28, $0xb8;
	[tilespmem:$0x1D000] =	vst v63  }
0x1e4: {  	p0 =	sne.s32 s5, $0x19000;
	s5 =	sadd.s32 $0x6880, s1;
	s6 =	sadd.s32 $0x80, s1  }
0x1e5: {  	[tilespmem:s5], [sflag:$0x2] =	stream.indirect.gather [spmem:s2], $0x1, s6, s28, $0xb8;
	[tilespmem:$0x1D000] =	vst v63  }
0x1e6: {  	s5 =	sadd.s32 $0x6900, s1;
	s6 =	sadd.s32 $0x100, s1  }
0x1e7: {  	[tilespmem:s5], [sflag:$0x2] =	stream.indirect.gather [spmem:s2], $0x1, s6, s28, $0xb8;
	[tilespmem:$0x1D000] =	vst v63  }
0x1e8: {  	s5 =	sadd.s32 $0x6980, s1;
	s6 =	sadd.s32 $0x180, s1  }
0x1e9: {  	[tilespmem:s5], [sflag:$0x2] =	stream.indirect.gather [spmem:s2], $0x1, s6, s28, $0xb8;
	[tilespmem:$0x1D000] =	vst v63  }
0x1ea: {  	s5 =	sadd.s32 $0x6A00, s1;
	s6 =	sadd.s32 $0x200, s1  }
0x1eb: {  	[tilespmem:s5], [sflag:$0x2] =	stream.indirect.gather [spmem:s2], $0x1, s6, s28, $0xb8;
	[tilespmem:$0x1D000] =	vst v63  }
.Ltmp8:
0x1ec: {  	s5 =	sadd.s32 $0x6A80, s1;
	s6 =	sadd.s32 $0x280, s1;
	(pc) =	sbr.rel @p0 .LBB2_18-.Ltmp8, $4  }
0x1ed: {  	[tilespmem:s5], [sflag:$0x2] =	stream.indirect.gather [spmem:s2], $0x1, s6, s28, $0xb8;
	[tilespmem:$0x1D000] =	vst v63  }
0x1ee: {  	s16 =	sadd.s32 $0x380, s1;
	s5 =	sadd.s32 $0x6B00, s1;
	s6 =	sadd.s32 $0x300, s1  }
0x1ef: {  	[tilespmem:s5], [sflag:$0x2] =	stream.indirect.gather [spmem:s2], $0x1, s6, s28, $0xb8;
	[tilespmem:$0x1D000] =	vst v63  }
0x1f0: {  	s6 =	sadd.s32 $0x6B80, s1;
	s1 =	smov.u32 s7;
	s5 =	smov.u32 s8  }
0x1f1: {  	[tilespmem:s6], [sflag:$0x2] =	stream.indirect.gather [spmem:s2], $0x1, s16, s28, $0xb8;
	[tilespmem:$0x1D000] =	vst v63  }
0x1f2: {  	s5 =	sadd.s32 $0x6800, s1  }
0x1f3: {  	[tilespmem:s5], [sflag:$0x2] =	stream.indirect.gather [spmem:s2], $0x1, s1, s28, $0xb8;
	[tilespmem:$0x1D000] =	vst v63  }
0x1f4: {  	s16 =	sadd.s32 $0x6880, s1;
	s24 =	sadd.s32 $0x80, s1  }
0x1f5: {  	[tilespmem:s16], [sflag:$0x2] =	stream.indirect.gather [spmem:s2], $0x1, s24, s28, $0xb8;
	[tilespmem:$0x1D000] =	vst v63  }
0x1f6: {  	s6 =	sadd.s32 $0x6900, s1;
	s7 =	sadd.s32 $0x100, s1  }
0x1f7: {  	[tilespmem:s6], [sflag:$0x2] =	stream.indirect.gather [spmem:s2], $0x1, s7, s28, $0xb8;
	[tilespmem:$0x1D000] =	vst v63  }
0x1f8: {  	s8 =	sadd.s32 $0x6980, s1;
	s9 =	sadd.s32 $0x180, s1  }
0x1f9: {  	[tilespmem:s8], [sflag:$0x2] =	stream.indirect.gather [spmem:s2], $0x1, s9, s28, $0xb8;
	[tilespmem:$0x1D000] =	vst v63  }
0x1fa: {  	s16 =	sadd.s32 $0x6A00, s1;
	s24 =	sadd.s32 $0x200, s1  }
0x1fb: {  	[tilespmem:s16], [sflag:$0x2] =	stream.indirect.gather [spmem:s2], $0x1, s24, s28, $0xb8;
	[tilespmem:$0x1D000] =	vst v63  }
0x1fc: {  	s6 =	sadd.s32 $0x6A80, s1;
	s7 =	sadd.s32 $0x280, s1  }
0x1fd: {  	[tilespmem:s6], [sflag:$0x2] =	stream.indirect.gather [spmem:s2], $0x1, s7, s28, $0xb8;
	[tilespmem:$0x1D000] =	vst v63  }
0x1fe: {  	s8 =	sadd.s32 $0x6B00, s1;
	s9 =	sadd.s32 $0x300, s1  }
0x1ff: {  	[tilespmem:s8], [sflag:$0x2] =	stream.indirect.gather [spmem:s2], $0x1, s9, s28, $0xb8;
	[tilespmem:$0x1D000] =	vst v63  }
0x200: {  	s16 =	sadd.s32 $0x6B80, s1;
	s24 =	sadd.s32 $0x380, s1  }
0x201: {  	[tilespmem:s16], [sflag:$0x2] =	stream.indirect.gather [spmem:s2], $0x1, s24, s28, $0xb8;
	[tilespmem:$0x1D000] =	vst v63  }
0x202: {  	_ =	swait.ge [sflag:s29], $0x6800  }
0x203: {  	[sflag:s29] =	ssyncset.done $0x0  }
0x204: {  	s5 =	simm.s32 $0x6800;
	[sflag:s29] =	ssyncadd.s32 $0xFFFF9800  }
0x205: {  	[hbm4b:s19+s3] =	stream.linear.scatter [tilespmem:s5], [sflag:$0x3], $0x80, $0x38;
	[tilespmem:$0x1D000] =	vst v63  }
0x206: {  	s6 =	sadd.s32 $0x40, s19;
	s7 =	simm.s32 $0x6880  }
0x207: {  	[hbm4b:s6+s3] =	stream.linear.scatter [tilespmem:s7], [sflag:$0x3], $0x80, $0x38;
	[tilespmem:$0x1D000] =	vst v63  }
0x208: {  	s8 =	sadd.s32 $0x80, s19;
	s9 =	simm.s32 $0x6900  }
0x209: {  	[hbm4b:s8+s3] =	stream.linear.scatter [tilespmem:s9], [sflag:$0x3], $0x80, $0x38;
	[tilespmem:$0x1D000] =	vst v63  }
0x20a: {  	s16 =	sadd.s32 $0xC0, s19;
	s24 =	simm.s32 $0x6980  }
0x20b: {  	[hbm4b:s16+s3] =	stream.linear.scatter [tilespmem:s24], [sflag:$0x3], $0x80, $0x38;
	[tilespmem:$0x1D000] =	vst v63  }
0x20c: {  	s6 =	sadd.s32 $0x100, s19;
	s7 =	simm.s32 $0x6A00  }
0x20d: {  	[hbm4b:s6+s3] =	stream.linear.scatter [tilespmem:s7], [sflag:$0x3], $0x80, $0x38;
	[tilespmem:$0x1D000] =	vst v63  }
0x20e: {  	s1 =	simm.s32 $0x400;
	s8 =	sadd.s32 $0x140, s19;
	s9 =	simm.s32 $0x6A80  }
0x20f: {  	[hbm4b:s8+s3] =	stream.linear.scatter [tilespmem:s9], [sflag:$0x3], $0x80, $0x38;
	[tilespmem:$0x1D000] =	vst v63  }
0x210: {  	s5 =	simm.s32 $0x2000;
	s16 =	sadd.s32 $0x180, s19;
	s24 =	simm.s32 $0x6B00  }
0x211: {  	[hbm4b:s16+s3] =	stream.linear.scatter [tilespmem:s24], [sflag:$0x3], $0x80, $0x38;
	[tilespmem:$0x1D000] =	vst v63  }
0x212: {  	s6 =	sadd.s32 $0x1C0, s19;
	s16 =	simm.s32 $0x6B80;
	s24 =	sadd.s32 $0x8000, s19  }
.LBB2_20:
0x213: {  	[hbm4b:s6+s3] =	stream.linear.scatter [tilespmem:s16], [sflag:$0x3], $0x80, $0x38;
	[tilespmem:$0x1D000] =	vst v63  }
0x214: {  	s7 =	smov.u32 s1;
	s1 =	smov.u32 s5  }
0x215: {  	s8 =	sadd.s32 $0x1000, s5;
	s1 =	sshra.s32 s1, $0x2;
	s6 =	sadd.s32 $0x6800, s7  }
0x216: {  	[hbm4b:s24+s3] =	stream.linear.scatter [tilespmem:s6], [sflag:$0x3], $0x80, $0x38;
	[tilespmem:$0x1D000] =	vst v63  }
0x217: {  	p0 =	sne.s32 s5, $0x19000;
	s5 =	sadd.s32 $0x40, s24;
	s6 =	sadd.s32 $0x6880, s7  }
0x218: {  	[hbm4b:s5+s3] =	stream.linear.scatter [tilespmem:s6], [sflag:$0x3], $0x80, $0x38;
	[tilespmem:$0x1D000] =	vst v63  }
0x219: {  	s5 =	sadd.s32 $0x80, s24;
	s6 =	sadd.s32 $0x6900, s7  }
0x21a: {  	[hbm4b:s5+s3] =	stream.linear.scatter [tilespmem:s6], [sflag:$0x3], $0x80, $0x38;
	[tilespmem:$0x1D000] =	vst v63  }
0x21b: {  	s5 =	sadd.s32 $0xC0, s24;
	s6 =	sadd.s32 $0x6980, s7  }
0x21c: {  	[hbm4b:s5+s3] =	stream.linear.scatter [tilespmem:s6], [sflag:$0x3], $0x80, $0x38;
	[tilespmem:$0x1D000] =	vst v63  }
0x21d: {  	s5 =	sadd.s32 $0x100, s24;
	s6 =	sadd.s32 $0x6A00, s7  }
0x21e: {  	[hbm4b:s5+s3] =	stream.linear.scatter [tilespmem:s6], [sflag:$0x3], $0x80, $0x38;
	[tilespmem:$0x1D000] =	vst v63  }
.Ltmp9:
0x21f: {  	s5 =	sadd.s32 $0x140, s24;
	s6 =	sadd.s32 $0x6A80, s7;
	(pc) =	sbr.rel @p0 .LBB2_20-.Ltmp9, $4  }
0x220: {  	[hbm4b:s5+s3] =	stream.linear.scatter [tilespmem:s6], [sflag:$0x3], $0x80, $0x38;
	[tilespmem:$0x1D000] =	vst v63  }
0x221: {  	s16 =	sadd.s32 $0x6B80, s7;
	s5 =	sadd.s32 $0x180, s24;
	s6 =	sadd.s32 $0x6B00, s7  }
0x222: {  	[hbm4b:s5+s3] =	stream.linear.scatter [tilespmem:s6], [sflag:$0x3], $0x80, $0x38;
	[tilespmem:$0x1D000] =	vst v63  }
0x223: {  	s6 =	sadd.s32 $0x1C0, s24;
	s24 =	sadd.s32 $0x8000, s24;
	s5 =	smov.u32 s8  }
0x224: {  	[hbm4b:s6+s3] =	stream.linear.scatter [tilespmem:s16], [sflag:$0x3], $0x80, $0x38;
	[tilespmem:$0x1D000] =	vst v63  }
0x225: {  	s5 =	sadd.s32 $0x6800, s1  }
0x226: {  	[hbm4b:s24+s3] =	stream.linear.scatter [tilespmem:s5], [sflag:$0x3], $0x80, $0x38;
	[tilespmem:$0x1D000] =	vst v63  }
0x227: {  	s9 =	sadd.s32 $0x40, s24;
	s16 =	sadd.s32 $0x6880, s1  }
0x228: {  	[hbm4b:s9+s3] =	stream.linear.scatter [tilespmem:s16], [sflag:$0x3], $0x80, $0x38;
	[tilespmem:$0x1D000] =	vst v63  }
0x229: {  	s7 =	sadd.s32 $0x80, s24;
	s8 =	sadd.s32 $0x6900, s1  }
0x22a: {  	[hbm4b:s7+s3] =	stream.linear.scatter [tilespmem:s8], [sflag:$0x3], $0x80, $0x38;
	[tilespmem:$0x1D000] =	vst v63  }
0x22b: {  	s9 =	sadd.s32 $0xC0, s24;
	s16 =	sadd.s32 $0x6980, s1  }
0x22c: {  	[hbm4b:s9+s3] =	stream.linear.scatter [tilespmem:s16], [sflag:$0x3], $0x80, $0x38;
	[tilespmem:$0x1D000] =	vst v63  }
0x22d: {  	s7 =	sadd.s32 $0x100, s24;
	s8 =	sadd.s32 $0x6A00, s1  }
0x22e: {  	[hbm4b:s7+s3] =	stream.linear.scatter [tilespmem:s8], [sflag:$0x3], $0x80, $0x38;
	[tilespmem:$0x1D000] =	vst v63  }
0x22f: {  	s9 =	sadd.s32 $0x140, s24;
	s16 =	sadd.s32 $0x6A80, s1  }
0x230: {  	[hbm4b:s9+s3] =	stream.linear.scatter [tilespmem:s16], [sflag:$0x3], $0x80, $0x38;
	[tilespmem:$0x1D000] =	vst v63  }
0x231: {  	s6 =	sadd.s32 $0x180, s24;
	s7 =	sadd.s32 $0x6B00, s1  }
0x232: {  	[hbm4b:s6+s3] =	stream.linear.scatter [tilespmem:s7], [sflag:$0x3], $0x80, $0x38;
	[tilespmem:$0x1D000] =	vst v63  }
0x233: {  	s8 =	sadd.s32 $0x1C0, s24;
	s9 =	sadd.s32 $0x6B80, s1  }
0x234: {  	[hbm4b:s8+s3] =	stream.linear.scatter [tilespmem:s9], [sflag:$0x3], $0x80, $0x38;
	[tilespmem:$0x1D000] =	vst v63  }
0x235: {  	[bflag:$0x0] =	sbarrier.arrive $0xFFFF  }
0x236: {  	[spmem:s23], [sflag:s0] =	dma.local [hbm:s11], $0x2000  }
0x237: {  	_ =	swait.ge [sflag:s26], $0x2000  }
0x238: {  	[sflag:s26] =	ssyncset.done $0x0  }
0x239: {  	[sflag:s26] =	ssyncadd.s32 $0xFFFFE000  }
0x23a: {  	[bflag:$0x0] =	sbarrier.arrive $0xFFFF  }
0x23b: {  	_ =	swait.ge [sflag:s30], $0x6800  }
0x23c: {  	[sflag:s30] =	ssyncset.done $0x0  }
0x23d: {  	s24 =	simm.s32 $0x6800;
	s16 =	simm.s32 $0x0;
	[sflag:s30] =	ssyncadd.s32 $0xFFFF9800  }
0x23e: {  	[tilespmem:s24], [sflag:$0x2] =	stream.indirect.gather [spmem:s2], $0x1, s16, s28, $0xb8;
	[tilespmem:$0x1D000] =	vst v63  }
0x23f: {  	s6 =	simm.s32 $0x6880;
	s7 =	simm.s32 $0x80  }
0x240: {  	[tilespmem:s6], [sflag:$0x2] =	stream.indirect.gather [spmem:s2], $0x1, s7, s28, $0xb8;
	[tilespmem:$0x1D000] =	vst v63  }
0x241: {  	s8 =	simm.s32 $0x6900;
	s9 =	simm.s32 $0x100  }
0x242: {  	[tilespmem:s8], [sflag:$0x2] =	stream.indirect.gather [spmem:s2], $0x1, s9, s28, $0xb8;
	[tilespmem:$0x1D000] =	vst v63  }
0x243: {  	s16 =	simm.s32 $0x6980;
	s24 =	simm.s32 $0x180  }
0x244: {  	[tilespmem:s16], [sflag:$0x2] =	stream.indirect.gather [spmem:s2], $0x1, s24, s28, $0xb8;
	[tilespmem:$0x1D000] =	vst v63  }
0x245: {  	s6 =	simm.s32 $0x6A00;
	s7 =	simm.s32 $0x200  }
0x246: {  	[tilespmem:s6], [sflag:$0x2] =	stream.indirect.gather [spmem:s2], $0x1, s7, s28, $0xb8;
	[tilespmem:$0x1D000] =	vst v63  }
0x247: {  	s8 =	simm.s32 $0x6A80;
	s9 =	simm.s32 $0x280  }
0x248: {  	[tilespmem:s8], [sflag:$0x2] =	stream.indirect.gather [spmem:s2], $0x1, s9, s28, $0xb8;
	[tilespmem:$0x1D000] =	vst v63  }
0x249: {  	s5 =	simm.s32 $0x2000;
	s16 =	simm.s32 $0x6B00;
	s24 =	simm.s32 $0x300  }
0x24a: {  	[tilespmem:s16], [sflag:$0x2] =	stream.indirect.gather [spmem:s2], $0x1, s24, s28, $0xb8;
	[tilespmem:$0x1D000] =	vst v63  }
0x24b: {  	s1 =	simm.s32 $0x400;
	s6 =	simm.s32 $0x6B80;
	s16 =	simm.s32 $0x380  }
.LBB2_22:
0x24c: {  	[tilespmem:s6], [sflag:$0x2] =	stream.indirect.gather [spmem:s2], $0x1, s16, s28, $0xb8;
	[tilespmem:$0x1D000] =	vst v63  }
0x24d: {  	s6 =	smov.u32 s5  }
0x24e: {  	s8 =	sadd.s32 $0x1000, s5;
	s7 =	sshra.s32 s6, $0x2;
	s6 =	sadd.s32 $0x6800, s1  }
0x24f: {  	[tilespmem:s6], [sflag:$0x2] =	stream.indirect.gather [spmem:s2], $0x1, s1, s28, $0xb8;
	[tilespmem:$0x1D000] =	vst v63  }
0x250: {  	p0 =	sne.s32 s5, $0x19000;
	s5 =	sadd.s32 $0x6880, s1;
	s6 =	sadd.s32 $0x80, s1  }
0x251: {  	[tilespmem:s5], [sflag:$0x2] =	stream.indirect.gather [spmem:s2], $0x1, s6, s28, $0xb8;
	[tilespmem:$0x1D000] =	vst v63  }
0x252: {  	s5 =	sadd.s32 $0x6900, s1;
	s6 =	sadd.s32 $0x100, s1  }
0x253: {  	[tilespmem:s5], [sflag:$0x2] =	stream.indirect.gather [spmem:s2], $0x1, s6, s28, $0xb8;
	[tilespmem:$0x1D000] =	vst v63  }
0x254: {  	s5 =	sadd.s32 $0x6980, s1;
	s6 =	sadd.s32 $0x180, s1  }
0x255: {  	[tilespmem:s5], [sflag:$0x2] =	stream.indirect.gather [spmem:s2], $0x1, s6, s28, $0xb8;
	[tilespmem:$0x1D000] =	vst v63  }
0x256: {  	s5 =	sadd.s32 $0x6A00, s1;
	s6 =	sadd.s32 $0x200, s1  }
0x257: {  	[tilespmem:s5], [sflag:$0x2] =	stream.indirect.gather [spmem:s2], $0x1, s6, s28, $0xb8;
	[tilespmem:$0x1D000] =	vst v63  }
.Ltmp10:
0x258: {  	s5 =	sadd.s32 $0x6A80, s1;
	s6 =	sadd.s32 $0x280, s1;
	(pc) =	sbr.rel @p0 .LBB2_22-.Ltmp10, $4  }
0x259: {  	[tilespmem:s5], [sflag:$0x2] =	stream.indirect.gather [spmem:s2], $0x1, s6, s28, $0xb8;
	[tilespmem:$0x1D000] =	vst v63  }
0x25a: {  	s16 =	sadd.s32 $0x380, s1;
	s5 =	sadd.s32 $0x6B00, s1;
	s6 =	sadd.s32 $0x300, s1  }
0x25b: {  	[tilespmem:s5], [sflag:$0x2] =	stream.indirect.gather [spmem:s2], $0x1, s6, s28, $0xb8;
	[tilespmem:$0x1D000] =	vst v63  }
0x25c: {  	s6 =	sadd.s32 $0x6B80, s1;
	s1 =	smov.u32 s7;
	s5 =	smov.u32 s8  }
0x25d: {  	[tilespmem:s6], [sflag:$0x2] =	stream.indirect.gather [spmem:s2], $0x1, s16, s28, $0xb8;
	[tilespmem:$0x1D000] =	vst v63  }
0x25e: {  	s5 =	sadd.s32 $0x6800, s1  }
0x25f: {  	[tilespmem:s5], [sflag:$0x2] =	stream.indirect.gather [spmem:s2], $0x1, s1, s28, $0xb8;
	[tilespmem:$0x1D000] =	vst v63  }
0x260: {  	s16 =	sadd.s32 $0x6880, s1;
	s24 =	sadd.s32 $0x80, s1  }
0x261: {  	[tilespmem:s16], [sflag:$0x2] =	stream.indirect.gather [spmem:s2], $0x1, s24, s28, $0xb8;
	[tilespmem:$0x1D000] =	vst v63  }
0x262: {  	s6 =	sadd.s32 $0x6900, s1;
	s7 =	sadd.s32 $0x100, s1  }
0x263: {  	[tilespmem:s6], [sflag:$0x2] =	stream.indirect.gather [spmem:s2], $0x1, s7, s28, $0xb8;
	[tilespmem:$0x1D000] =	vst v63  }
0x264: {  	s8 =	sadd.s32 $0x6980, s1;
	s9 =	sadd.s32 $0x180, s1  }
0x265: {  	[tilespmem:s8], [sflag:$0x2] =	stream.indirect.gather [spmem:s2], $0x1, s9, s28, $0xb8;
	[tilespmem:$0x1D000] =	vst v63  }
0x266: {  	s16 =	sadd.s32 $0x6A00, s1;
	s24 =	sadd.s32 $0x200, s1  }
0x267: {  	[tilespmem:s16], [sflag:$0x2] =	stream.indirect.gather [spmem:s2], $0x1, s24, s28, $0xb8;
	[tilespmem:$0x1D000] =	vst v63  }
0x268: {  	s6 =	sadd.s32 $0x6A80, s1;
	s7 =	sadd.s32 $0x280, s1  }
0x269: {  	[tilespmem:s6], [sflag:$0x2] =	stream.indirect.gather [spmem:s2], $0x1, s7, s28, $0xb8;
	[tilespmem:$0x1D000] =	vst v63  }
0x26a: {  	s8 =	sadd.s32 $0x6B00, s1;
	s9 =	sadd.s32 $0x300, s1  }
0x26b: {  	[tilespmem:s8], [sflag:$0x2] =	stream.indirect.gather [spmem:s2], $0x1, s9, s28, $0xb8;
	[tilespmem:$0x1D000] =	vst v63  }
0x26c: {  	s16 =	sadd.s32 $0x6B80, s1;
	s24 =	sadd.s32 $0x380, s1  }
0x26d: {  	[tilespmem:s16], [sflag:$0x2] =	stream.indirect.gather [spmem:s2], $0x1, s24, s28, $0xb8;
	[tilespmem:$0x1D000] =	vst v63  }
0x26e: {  	_ =	swait.ge [sflag:s29], $0x6800  }
0x26f: {  	[sflag:s29] =	ssyncset.done $0x0  }
0x270: {  	s5 =	simm.s32 $0x6800;
	[sflag:s29] =	ssyncadd.s32 $0xFFFF9800  }
0x271: {  	[hbm4b:s20+s3] =	stream.linear.scatter [tilespmem:s5], [sflag:$0x3], $0x80, $0x38;
	[tilespmem:$0x1D000] =	vst v63  }
0x272: {  	s6 =	sadd.s32 $0x40, s20;
	s7 =	simm.s32 $0x6880  }
0x273: {  	[hbm4b:s6+s3] =	stream.linear.scatter [tilespmem:s7], [sflag:$0x3], $0x80, $0x38;
	[tilespmem:$0x1D000] =	vst v63  }
0x274: {  	s8 =	sadd.s32 $0x80, s20;
	s9 =	simm.s32 $0x6900  }
0x275: {  	[hbm4b:s8+s3] =	stream.linear.scatter [tilespmem:s9], [sflag:$0x3], $0x80, $0x38;
	[tilespmem:$0x1D000] =	vst v63  }
0x276: {  	s16 =	sadd.s32 $0xC0, s20;
	s24 =	simm.s32 $0x6980  }
0x277: {  	[hbm4b:s16+s3] =	stream.linear.scatter [tilespmem:s24], [sflag:$0x3], $0x80, $0x38;
	[tilespmem:$0x1D000] =	vst v63  }
0x278: {  	s6 =	sadd.s32 $0x100, s20;
	s7 =	simm.s32 $0x6A00  }
0x279: {  	[hbm4b:s6+s3] =	stream.linear.scatter [tilespmem:s7], [sflag:$0x3], $0x80, $0x38;
	[tilespmem:$0x1D000] =	vst v63  }
0x27a: {  	s1 =	simm.s32 $0x400;
	s8 =	sadd.s32 $0x140, s20;
	s9 =	simm.s32 $0x6A80  }
0x27b: {  	[hbm4b:s8+s3] =	stream.linear.scatter [tilespmem:s9], [sflag:$0x3], $0x80, $0x38;
	[tilespmem:$0x1D000] =	vst v63  }
0x27c: {  	s5 =	simm.s32 $0x2000;
	s16 =	sadd.s32 $0x180, s20;
	s24 =	simm.s32 $0x6B00  }
0x27d: {  	[hbm4b:s16+s3] =	stream.linear.scatter [tilespmem:s24], [sflag:$0x3], $0x80, $0x38;
	[tilespmem:$0x1D000] =	vst v63  }
0x27e: {  	s6 =	sadd.s32 $0x1C0, s20;
	s16 =	simm.s32 $0x6B80;
	s24 =	sadd.s32 $0x8000, s20  }
.LBB2_24:
0x27f: {  	[hbm4b:s6+s3] =	stream.linear.scatter [tilespmem:s16], [sflag:$0x3], $0x80, $0x38;
	[tilespmem:$0x1D000] =	vst v63  }
0x280: {  	s7 =	smov.u32 s1;
	s1 =	smov.u32 s5  }
0x281: {  	s8 =	sadd.s32 $0x1000, s5;
	s1 =	sshra.s32 s1, $0x2;
	s6 =	sadd.s32 $0x6800, s7  }
0x282: {  	[hbm4b:s24+s3] =	stream.linear.scatter [tilespmem:s6], [sflag:$0x3], $0x80, $0x38;
	[tilespmem:$0x1D000] =	vst v63  }
0x283: {  	p0 =	sne.s32 s5, $0x19000;
	s5 =	sadd.s32 $0x40, s24;
	s6 =	sadd.s32 $0x6880, s7  }
0x284: {  	[hbm4b:s5+s3] =	stream.linear.scatter [tilespmem:s6], [sflag:$0x3], $0x80, $0x38;
	[tilespmem:$0x1D000] =	vst v63  }
0x285: {  	s5 =	sadd.s32 $0x80, s24;
	s6 =	sadd.s32 $0x6900, s7  }
0x286: {  	[hbm4b:s5+s3] =	stream.linear.scatter [tilespmem:s6], [sflag:$0x3], $0x80, $0x38;
	[tilespmem:$0x1D000] =	vst v63  }
0x287: {  	s5 =	sadd.s32 $0xC0, s24;
	s6 =	sadd.s32 $0x6980, s7  }
0x288: {  	[hbm4b:s5+s3] =	stream.linear.scatter [tilespmem:s6], [sflag:$0x3], $0x80, $0x38;
	[tilespmem:$0x1D000] =	vst v63  }
0x289: {  	s5 =	sadd.s32 $0x100, s24;
	s6 =	sadd.s32 $0x6A00, s7  }
0x28a: {  	[hbm4b:s5+s3] =	stream.linear.scatter [tilespmem:s6], [sflag:$0x3], $0x80, $0x38;
	[tilespmem:$0x1D000] =	vst v63  }
.Ltmp11:
0x28b: {  	s5 =	sadd.s32 $0x140, s24;
	s6 =	sadd.s32 $0x6A80, s7;
	(pc) =	sbr.rel @p0 .LBB2_24-.Ltmp11, $4  }
0x28c: {  	[hbm4b:s5+s3] =	stream.linear.scatter [tilespmem:s6], [sflag:$0x3], $0x80, $0x38;
	[tilespmem:$0x1D000] =	vst v63  }
0x28d: {  	s16 =	sadd.s32 $0x6B80, s7;
	s5 =	sadd.s32 $0x180, s24;
	s6 =	sadd.s32 $0x6B00, s7  }
0x28e: {  	[hbm4b:s5+s3] =	stream.linear.scatter [tilespmem:s6], [sflag:$0x3], $0x80, $0x38;
	[tilespmem:$0x1D000] =	vst v63  }
0x28f: {  	s6 =	sadd.s32 $0x1C0, s24;
	s24 =	sadd.s32 $0x8000, s24;
	s5 =	smov.u32 s8  }
0x290: {  	[hbm4b:s6+s3] =	stream.linear.scatter [tilespmem:s16], [sflag:$0x3], $0x80, $0x38;
	[tilespmem:$0x1D000] =	vst v63  }
0x291: {  	s5 =	sadd.s32 $0x6800, s1  }
0x292: {  	[hbm4b:s24+s3] =	stream.linear.scatter [tilespmem:s5], [sflag:$0x3], $0x80, $0x38;
	[tilespmem:$0x1D000] =	vst v63  }
0x293: {  	s9 =	sadd.s32 $0x40, s24;
	s16 =	sadd.s32 $0x6880, s1  }
0x294: {  	[hbm4b:s9+s3] =	stream.linear.scatter [tilespmem:s16], [sflag:$0x3], $0x80, $0x38;
	[tilespmem:$0x1D000] =	vst v63  }
0x295: {  	s7 =	sadd.s32 $0x80, s24;
	s8 =	sadd.s32 $0x6900, s1  }
0x296: {  	[hbm4b:s7+s3] =	stream.linear.scatter [tilespmem:s8], [sflag:$0x3], $0x80, $0x38;
	[tilespmem:$0x1D000] =	vst v63  }
0x297: {  	s9 =	sadd.s32 $0xC0, s24;
	s16 =	sadd.s32 $0x6980, s1  }
0x298: {  	[hbm4b:s9+s3] =	stream.linear.scatter [tilespmem:s16], [sflag:$0x3], $0x80, $0x38;
	[tilespmem:$0x1D000] =	vst v63  }
0x299: {  	s7 =	sadd.s32 $0x100, s24;
	s8 =	sadd.s32 $0x6A00, s1  }
0x29a: {  	[hbm4b:s7+s3] =	stream.linear.scatter [tilespmem:s8], [sflag:$0x3], $0x80, $0x38;
	[tilespmem:$0x1D000] =	vst v63  }
0x29b: {  	s9 =	sadd.s32 $0x140, s24;
	s16 =	sadd.s32 $0x6A80, s1  }
0x29c: {  	[hbm4b:s9+s3] =	stream.linear.scatter [tilespmem:s16], [sflag:$0x3], $0x80, $0x38;
	[tilespmem:$0x1D000] =	vst v63  }
0x29d: {  	s6 =	sadd.s32 $0x180, s24;
	s7 =	sadd.s32 $0x6B00, s1  }
0x29e: {  	[hbm4b:s6+s3] =	stream.linear.scatter [tilespmem:s7], [sflag:$0x3], $0x80, $0x38;
	[tilespmem:$0x1D000] =	vst v63  }
0x29f: {  	s8 =	sadd.s32 $0x1C0, s24;
	s9 =	sadd.s32 $0x6B80, s1  }
0x2a0: {  	[hbm4b:s8+s3] =	stream.linear.scatter [tilespmem:s9], [sflag:$0x3], $0x80, $0x38;
	[tilespmem:$0x1D000] =	vst v63  }
0x2a1: {  	[bflag:$0x0] =	sbarrier.arrive $0xFFFF  }
0x2a2: {  	[spmem:s23], [sflag:s0] =	dma.local [hbm:s12], $0x2000  }
0x2a3: {  	_ =	swait.ge [sflag:s26], $0x2000  }
0x2a4: {  	[sflag:s26] =	ssyncset.done $0x0  }
0x2a5: {  	[sflag:s26] =	ssyncadd.s32 $0xFFFFE000  }
0x2a6: {  	[bflag:$0x0] =	sbarrier.arrive $0xFFFF  }
0x2a7: {  	_ =	swait.ge [sflag:s30], $0x6800  }
0x2a8: {  	[sflag:s30] =	ssyncset.done $0x0  }
0x2a9: {  	s24 =	simm.s32 $0x6800;
	s16 =	simm.s32 $0x0;
	[sflag:s30] =	ssyncadd.s32 $0xFFFF9800  }
0x2aa: {  	[tilespmem:s24], [sflag:$0x2] =	stream.indirect.gather [spmem:s2], $0x1, s16, s28, $0xb8;
	[tilespmem:$0x1D000] =	vst v63  }
0x2ab: {  	s6 =	simm.s32 $0x6880;
	s7 =	simm.s32 $0x80  }
0x2ac: {  	[tilespmem:s6], [sflag:$0x2] =	stream.indirect.gather [spmem:s2], $0x1, s7, s28, $0xb8;
	[tilespmem:$0x1D000] =	vst v63  }
0x2ad: {  	s8 =	simm.s32 $0x6900;
	s9 =	simm.s32 $0x100  }
0x2ae: {  	[tilespmem:s8], [sflag:$0x2] =	stream.indirect.gather [spmem:s2], $0x1, s9, s28, $0xb8;
	[tilespmem:$0x1D000] =	vst v63  }
0x2af: {  	s16 =	simm.s32 $0x6980;
	s24 =	simm.s32 $0x180  }
0x2b0: {  	[tilespmem:s16], [sflag:$0x2] =	stream.indirect.gather [spmem:s2], $0x1, s24, s28, $0xb8;
	[tilespmem:$0x1D000] =	vst v63  }
0x2b1: {  	s6 =	simm.s32 $0x6A00;
	s7 =	simm.s32 $0x200  }
0x2b2: {  	[tilespmem:s6], [sflag:$0x2] =	stream.indirect.gather [spmem:s2], $0x1, s7, s28, $0xb8;
	[tilespmem:$0x1D000] =	vst v63  }
0x2b3: {  	s8 =	simm.s32 $0x6A80;
	s9 =	simm.s32 $0x280  }
0x2b4: {  	[tilespmem:s8], [sflag:$0x2] =	stream.indirect.gather [spmem:s2], $0x1, s9, s28, $0xb8;
	[tilespmem:$0x1D000] =	vst v63  }
0x2b5: {  	s5 =	simm.s32 $0x2000;
	s16 =	simm.s32 $0x6B00;
	s24 =	simm.s32 $0x300  }
0x2b6: {  	[tilespmem:s16], [sflag:$0x2] =	stream.indirect.gather [spmem:s2], $0x1, s24, s28, $0xb8;
	[tilespmem:$0x1D000] =	vst v63  }
0x2b7: {  	s1 =	simm.s32 $0x400;
	s6 =	simm.s32 $0x6B80;
	s16 =	simm.s32 $0x380  }
.LBB2_26:
0x2b8: {  	[tilespmem:s6], [sflag:$0x2] =	stream.indirect.gather [spmem:s2], $0x1, s16, s28, $0xb8;
	[tilespmem:$0x1D000] =	vst v63  }
0x2b9: {  	s6 =	smov.u32 s5  }
0x2ba: {  	s8 =	sadd.s32 $0x1000, s5;
	s7 =	sshra.s32 s6, $0x2;
	s6 =	sadd.s32 $0x6800, s1  }
0x2bb: {  	[tilespmem:s6], [sflag:$0x2] =	stream.indirect.gather [spmem:s2], $0x1, s1, s28, $0xb8;
	[tilespmem:$0x1D000] =	vst v63  }
0x2bc: {  	p0 =	sne.s32 s5, $0x19000;
	s5 =	sadd.s32 $0x6880, s1;
	s6 =	sadd.s32 $0x80, s1  }
0x2bd: {  	[tilespmem:s5], [sflag:$0x2] =	stream.indirect.gather [spmem:s2], $0x1, s6, s28, $0xb8;
	[tilespmem:$0x1D000] =	vst v63  }
0x2be: {  	s5 =	sadd.s32 $0x6900, s1;
	s6 =	sadd.s32 $0x100, s1  }
0x2bf: {  	[tilespmem:s5], [sflag:$0x2] =	stream.indirect.gather [spmem:s2], $0x1, s6, s28, $0xb8;
	[tilespmem:$0x1D000] =	vst v63  }
0x2c0: {  	s5 =	sadd.s32 $0x6980, s1;
	s6 =	sadd.s32 $0x180, s1  }
0x2c1: {  	[tilespmem:s5], [sflag:$0x2] =	stream.indirect.gather [spmem:s2], $0x1, s6, s28, $0xb8;
	[tilespmem:$0x1D000] =	vst v63  }
0x2c2: {  	s5 =	sadd.s32 $0x6A00, s1;
	s6 =	sadd.s32 $0x200, s1  }
0x2c3: {  	[tilespmem:s5], [sflag:$0x2] =	stream.indirect.gather [spmem:s2], $0x1, s6, s28, $0xb8;
	[tilespmem:$0x1D000] =	vst v63  }
.Ltmp12:
0x2c4: {  	s5 =	sadd.s32 $0x6A80, s1;
	s6 =	sadd.s32 $0x280, s1;
	(pc) =	sbr.rel @p0 .LBB2_26-.Ltmp12, $4  }
0x2c5: {  	[tilespmem:s5], [sflag:$0x2] =	stream.indirect.gather [spmem:s2], $0x1, s6, s28, $0xb8;
	[tilespmem:$0x1D000] =	vst v63  }
0x2c6: {  	s16 =	sadd.s32 $0x380, s1;
	s5 =	sadd.s32 $0x6B00, s1;
	s6 =	sadd.s32 $0x300, s1  }
0x2c7: {  	[tilespmem:s5], [sflag:$0x2] =	stream.indirect.gather [spmem:s2], $0x1, s6, s28, $0xb8;
	[tilespmem:$0x1D000] =	vst v63  }
0x2c8: {  	s6 =	sadd.s32 $0x6B80, s1;
	s1 =	smov.u32 s7;
	s5 =	smov.u32 s8  }
0x2c9: {  	[tilespmem:s6], [sflag:$0x2] =	stream.indirect.gather [spmem:s2], $0x1, s16, s28, $0xb8;
	[tilespmem:$0x1D000] =	vst v63  }
0x2ca: {  	s5 =	sadd.s32 $0x6800, s1  }
0x2cb: {  	[tilespmem:s5], [sflag:$0x2] =	stream.indirect.gather [spmem:s2], $0x1, s1, s28, $0xb8;
	[tilespmem:$0x1D000] =	vst v63  }
0x2cc: {  	s16 =	sadd.s32 $0x6880, s1;
	s24 =	sadd.s32 $0x80, s1  }
0x2cd: {  	[tilespmem:s16], [sflag:$0x2] =	stream.indirect.gather [spmem:s2], $0x1, s24, s28, $0xb8;
	[tilespmem:$0x1D000] =	vst v63  }
0x2ce: {  	s6 =	sadd.s32 $0x6900, s1;
	s7 =	sadd.s32 $0x100, s1  }
0x2cf: {  	[tilespmem:s6], [sflag:$0x2] =	stream.indirect.gather [spmem:s2], $0x1, s7, s28, $0xb8;
	[tilespmem:$0x1D000] =	vst v63  }
0x2d0: {  	s8 =	sadd.s32 $0x6980, s1;
	s9 =	sadd.s32 $0x180, s1  }
0x2d1: {  	[tilespmem:s8], [sflag:$0x2] =	stream.indirect.gather [spmem:s2], $0x1, s9, s28, $0xb8;
	[tilespmem:$0x1D000] =	vst v63  }
0x2d2: {  	s16 =	sadd.s32 $0x6A00, s1;
	s24 =	sadd.s32 $0x200, s1  }
0x2d3: {  	[tilespmem:s16], [sflag:$0x2] =	stream.indirect.gather [spmem:s2], $0x1, s24, s28, $0xb8;
	[tilespmem:$0x1D000] =	vst v63  }
0x2d4: {  	s6 =	sadd.s32 $0x6A80, s1;
	s7 =	sadd.s32 $0x280, s1  }
0x2d5: {  	[tilespmem:s6], [sflag:$0x2] =	stream.indirect.gather [spmem:s2], $0x1, s7, s28, $0xb8;
	[tilespmem:$0x1D000] =	vst v63  }
0x2d6: {  	s8 =	sadd.s32 $0x6B00, s1;
	s9 =	sadd.s32 $0x300, s1  }
0x2d7: {  	[tilespmem:s8], [sflag:$0x2] =	stream.indirect.gather [spmem:s2], $0x1, s9, s28, $0xb8;
	[tilespmem:$0x1D000] =	vst v63  }
0x2d8: {  	s16 =	sadd.s32 $0x6B80, s1;
	s24 =	sadd.s32 $0x380, s1  }
0x2d9: {  	[tilespmem:s16], [sflag:$0x2] =	stream.indirect.gather [spmem:s2], $0x1, s24, s28, $0xb8;
	[tilespmem:$0x1D000] =	vst v63  }
0x2da: {  	_ =	swait.ge [sflag:s29], $0x6800  }
0x2db: {  	[sflag:s29] =	ssyncset.done $0x0  }
0x2dc: {  	s5 =	simm.s32 $0x6800;
	[sflag:s29] =	ssyncadd.s32 $0xFFFF9800  }
0x2dd: {  	[hbm4b:s21+s3] =	stream.linear.scatter [tilespmem:s5], [sflag:$0x3], $0x80, $0x38;
	[tilespmem:$0x1D000] =	vst v63  }
0x2de: {  	s6 =	sadd.s32 $0x40, s21;
	s7 =	simm.s32 $0x6880  }
0x2df: {  	[hbm4b:s6+s3] =	stream.linear.scatter [tilespmem:s7], [sflag:$0x3], $0x80, $0x38;
	[tilespmem:$0x1D000] =	vst v63  }
0x2e0: {  	s8 =	sadd.s32 $0x80, s21;
	s9 =	simm.s32 $0x6900  }
0x2e1: {  	[hbm4b:s8+s3] =	stream.linear.scatter [tilespmem:s9], [sflag:$0x3], $0x80, $0x38;
	[tilespmem:$0x1D000] =	vst v63  }
0x2e2: {  	s16 =	sadd.s32 $0xC0, s21;
	s24 =	simm.s32 $0x6980  }
0x2e3: {  	[hbm4b:s16+s3] =	stream.linear.scatter [tilespmem:s24], [sflag:$0x3], $0x80, $0x38;
	[tilespmem:$0x1D000] =	vst v63  }
0x2e4: {  	s6 =	sadd.s32 $0x100, s21;
	s7 =	simm.s32 $0x6A00  }
0x2e5: {  	[hbm4b:s6+s3] =	stream.linear.scatter [tilespmem:s7], [sflag:$0x3], $0x80, $0x38;
	[tilespmem:$0x1D000] =	vst v63  }
0x2e6: {  	s1 =	simm.s32 $0x400;
	s8 =	sadd.s32 $0x140, s21;
	s9 =	simm.s32 $0x6A80  }
0x2e7: {  	[hbm4b:s8+s3] =	stream.linear.scatter [tilespmem:s9], [sflag:$0x3], $0x80, $0x38;
	[tilespmem:$0x1D000] =	vst v63  }
0x2e8: {  	s5 =	simm.s32 $0x2000;
	s16 =	sadd.s32 $0x180, s21;
	s24 =	simm.s32 $0x6B00  }
0x2e9: {  	[hbm4b:s16+s3] =	stream.linear.scatter [tilespmem:s24], [sflag:$0x3], $0x80, $0x38;
	[tilespmem:$0x1D000] =	vst v63  }
0x2ea: {  	s6 =	sadd.s32 $0x1C0, s21;
	s16 =	simm.s32 $0x6B80;
	s24 =	sadd.s32 $0x8000, s21  }
.LBB2_28:
0x2eb: {  	[hbm4b:s6+s3] =	stream.linear.scatter [tilespmem:s16], [sflag:$0x3], $0x80, $0x38;
	[tilespmem:$0x1D000] =	vst v63  }
0x2ec: {  	s7 =	smov.u32 s1;
	s1 =	smov.u32 s5  }
0x2ed: {  	s8 =	sadd.s32 $0x1000, s5;
	s1 =	sshra.s32 s1, $0x2;
	s6 =	sadd.s32 $0x6800, s7  }
0x2ee: {  	[hbm4b:s24+s3] =	stream.linear.scatter [tilespmem:s6], [sflag:$0x3], $0x80, $0x38;
	[tilespmem:$0x1D000] =	vst v63  }
0x2ef: {  	p0 =	sne.s32 s5, $0x19000;
	s5 =	sadd.s32 $0x40, s24;
	s6 =	sadd.s32 $0x6880, s7  }
0x2f0: {  	[hbm4b:s5+s3] =	stream.linear.scatter [tilespmem:s6], [sflag:$0x3], $0x80, $0x38;
	[tilespmem:$0x1D000] =	vst v63  }
0x2f1: {  	s5 =	sadd.s32 $0x80, s24;
	s6 =	sadd.s32 $0x6900, s7  }
0x2f2: {  	[hbm4b:s5+s3] =	stream.linear.scatter [tilespmem:s6], [sflag:$0x3], $0x80, $0x38;
	[tilespmem:$0x1D000] =	vst v63  }
0x2f3: {  	s5 =	sadd.s32 $0xC0, s24;
	s6 =	sadd.s32 $0x6980, s7  }
0x2f4: {  	[hbm4b:s5+s3] =	stream.linear.scatter [tilespmem:s6], [sflag:$0x3], $0x80, $0x38;
	[tilespmem:$0x1D000] =	vst v63  }
0x2f5: {  	s5 =	sadd.s32 $0x100, s24;
	s6 =	sadd.s32 $0x6A00, s7  }
0x2f6: {  	[hbm4b:s5+s3] =	stream.linear.scatter [tilespmem:s6], [sflag:$0x3], $0x80, $0x38;
	[tilespmem:$0x1D000] =	vst v63  }
.Ltmp13:
0x2f7: {  	s5 =	sadd.s32 $0x140, s24;
	s6 =	sadd.s32 $0x6A80, s7;
	(pc) =	sbr.rel @p0 .LBB2_28-.Ltmp13, $4  }
0x2f8: {  	[hbm4b:s5+s3] =	stream.linear.scatter [tilespmem:s6], [sflag:$0x3], $0x80, $0x38;
	[tilespmem:$0x1D000] =	vst v63  }
0x2f9: {  	s16 =	sadd.s32 $0x6B80, s7;
	s5 =	sadd.s32 $0x180, s24;
	s6 =	sadd.s32 $0x6B00, s7  }
0x2fa: {  	[hbm4b:s5+s3] =	stream.linear.scatter [tilespmem:s6], [sflag:$0x3], $0x80, $0x38;
	[tilespmem:$0x1D000] =	vst v63  }
0x2fb: {  	s6 =	sadd.s32 $0x1C0, s24;
	s24 =	sadd.s32 $0x8000, s24;
	s5 =	smov.u32 s8  }
0x2fc: {  	[hbm4b:s6+s3] =	stream.linear.scatter [tilespmem:s16], [sflag:$0x3], $0x80, $0x38;
	[tilespmem:$0x1D000] =	vst v63  }
0x2fd: {  	s5 =	sadd.s32 $0x6800, s1  }
0x2fe: {  	[hbm4b:s24+s3] =	stream.linear.scatter [tilespmem:s5], [sflag:$0x3], $0x80, $0x38;
	[tilespmem:$0x1D000] =	vst v63  }
0x2ff: {  	s7 =	sadd.s32 $0x40, s24;
	s8 =	sadd.s32 $0x6880, s1  }
0x300: {  	[hbm4b:s7+s3] =	stream.linear.scatter [tilespmem:s8], [sflag:$0x3], $0x80, $0x38;
	[tilespmem:$0x1D000] =	vst v63  }
0x301: {  	s9 =	sadd.s32 $0x80, s24;
	s16 =	sadd.s32 $0x6900, s1  }
0x302: {  	[hbm4b:s9+s3] =	stream.linear.scatter [tilespmem:s16], [sflag:$0x3], $0x80, $0x38;
	[tilespmem:$0x1D000] =	vst v63  }
0x303: {  	s7 =	sadd.s32 $0xC0, s24;
	s8 =	sadd.s32 $0x6980, s1  }
0x304: {  	[hbm4b:s7+s3] =	stream.linear.scatter [tilespmem:s8], [sflag:$0x3], $0x80, $0x38;
	[tilespmem:$0x1D000] =	vst v63  }
0x305: {  	s9 =	sadd.s32 $0x100, s24;
	s16 =	sadd.s32 $0x6A00, s1  }
0x306: {  	[hbm4b:s9+s3] =	stream.linear.scatter [tilespmem:s16], [sflag:$0x3], $0x80, $0x38;
	[tilespmem:$0x1D000] =	vst v63  }
0x307: {  	s7 =	sadd.s32 $0x140, s24;
	s8 =	sadd.s32 $0x6A80, s1  }
0x308: {  	[hbm4b:s7+s3] =	stream.linear.scatter [tilespmem:s8], [sflag:$0x3], $0x80, $0x38;
	[tilespmem:$0x1D000] =	vst v63  }
0x309: {  	s9 =	sadd.s32 $0x180, s24;
	s16 =	sadd.s32 $0x6B00, s1  }
0x30a: {  	[hbm4b:s9+s3] =	stream.linear.scatter [tilespmem:s16], [sflag:$0x3], $0x80, $0x38;
	[tilespmem:$0x1D000] =	vst v63  }
0x30b: {  	s6 =	sadd.s32 $0x6B80, s1;
	s24 =	sadd.s32 $0x1C0, s24  }
0x30c: {  	[hbm4b:s24+s3] =	stream.linear.scatter [tilespmem:s6], [sflag:$0x3], $0x80, $0x38;
	[tilespmem:$0x1D000] =	vst v63  }
0x30d: {  	[bflag:$0x0] =	sbarrier.arrive $0xFFFF  }
0x30e: {  	[spmem:s23], [sflag:s0] =	dma.local [hbm:s13], $0x2000  }
0x30f: {  	_ =	swait.ge [sflag:s26], $0x2000  }
0x310: {  	[sflag:s26] =	ssyncset.done $0x0  }
0x311: {  	[sflag:s26] =	ssyncadd.s32 $0xFFFFE000  }
0x312: {  	[bflag:$0x0] =	sbarrier.arrive $0xFFFF  }
0x313: {  	_ =	swait.ge [sflag:s30], $0x6800  }
0x314: {  	[sflag:s30] =	ssyncset.done $0x0  }
0x315: {  	s7 =	simm.s32 $0x0;
	s8 =	simm.s32 $0x6800;
	[sflag:s30] =	ssyncadd.s32 $0xFFFF9800  }
0x316: {  	[tilespmem:s8], [sflag:$0x2] =	stream.indirect.gather [spmem:s2], $0x1, s7, s28, $0xb8;
	[tilespmem:$0x1D000] =	vst v63  }
0x317: {  	s9 =	simm.s32 $0x6880;
	s16 =	simm.s32 $0x80  }
0x318: {  	[tilespmem:s9], [sflag:$0x2] =	stream.indirect.gather [spmem:s2], $0x1, s16, s28, $0xb8;
	[tilespmem:$0x1D000] =	vst v63  }
0x319: {  	s24 =	simm.s32 $0x100;
	s23 =	simm.s32 $0x6900  }
0x31a: {  	[tilespmem:s23], [sflag:$0x2] =	stream.indirect.gather [spmem:s2], $0x1, s24, s28, $0xb8;
	[tilespmem:$0x1D000] =	vst v63  }
0x31b: {  	s5 =	simm.s32 $0x6980;
	s1 =	simm.s32 $0x2000;
	s6 =	simm.s32 $0x180  }
0x31c: {  	[tilespmem:s5], [sflag:$0x2] =	stream.indirect.gather [spmem:s2], $0x1, s6, s28, $0xb8;
	[tilespmem:$0x1D000] =	vst v63  }
0x31d: {  	s0 =	simm.s32 $0x400;
	s7 =	simm.s32 $0x6A00;
	s8 =	simm.s32 $0x200  }
0x31e: {  	[tilespmem:s7], [sflag:$0x2] =	stream.indirect.gather [spmem:s2], $0x1, s8, s28, $0xb8;
	[tilespmem:$0x1D000] =	vst v63  }
0x31f: {  	s9 =	simm.s32 $0x6A80;
	s16 =	simm.s32 $0x280;
	s23 =	simm.s32 $0x6B00  }
0x320: {  	[tilespmem:s9], [sflag:$0x2] =	stream.indirect.gather [spmem:s2], $0x1, s16, s28, $0xb8;
	[tilespmem:$0x1D000] =	vst v63  }
0x321: {  	s24 =	simm.s32 $0x300;
	s5 =	simm.s32 $0x6B80;
	s6 =	simm.s32 $0x380  }
0x322: {  	[tilespmem:s23], [sflag:$0x2] =	stream.indirect.gather [spmem:s2], $0x1, s24, s28, $0xb8;
	[tilespmem:$0x1D000] =	vst v63  }
.LBB2_30:
0x323: {  	[tilespmem:s5], [sflag:$0x2] =	stream.indirect.gather [spmem:s2], $0x1, s6, s28, $0xb8;
	[tilespmem:$0x1D000] =	vst v63  }
0x324: {  	s5 =	smov.u32 s1  }
0x325: {  	s8 =	sadd.s32 $0x1000, s1;
	s7 =	sshra.s32 s5, $0x2;
	s5 =	sadd.s32 $0x6800, s0  }
0x326: {  	[tilespmem:s5], [sflag:$0x2] =	stream.indirect.gather [spmem:s2], $0x1, s0, s28, $0xb8;
	[tilespmem:$0x1D000] =	vst v63  }
0x327: {  	p0 =	sne.s32 s1, $0x19000;
	s1 =	sadd.s32 $0x6880, s0;
	s5 =	sadd.s32 $0x80, s0  }
0x328: {  	[tilespmem:s1], [sflag:$0x2] =	stream.indirect.gather [spmem:s2], $0x1, s5, s28, $0xb8;
	[tilespmem:$0x1D000] =	vst v63  }
0x329: {  	s1 =	sadd.s32 $0x6900, s0;
	s5 =	sadd.s32 $0x100, s0  }
0x32a: {  	[tilespmem:s1], [sflag:$0x2] =	stream.indirect.gather [spmem:s2], $0x1, s5, s28, $0xb8;
	[tilespmem:$0x1D000] =	vst v63  }
0x32b: {  	s1 =	sadd.s32 $0x6980, s0;
	s5 =	sadd.s32 $0x180, s0  }
0x32c: {  	[tilespmem:s1], [sflag:$0x2] =	stream.indirect.gather [spmem:s2], $0x1, s5, s28, $0xb8;
	[tilespmem:$0x1D000] =	vst v63  }
0x32d: {  	s1 =	sadd.s32 $0x6A00, s0;
	s5 =	sadd.s32 $0x200, s0  }
0x32e: {  	[tilespmem:s1], [sflag:$0x2] =	stream.indirect.gather [spmem:s2], $0x1, s5, s28, $0xb8;
	[tilespmem:$0x1D000] =	vst v63  }
.Ltmp14:
0x32f: {  	s1 =	sadd.s32 $0x6A80, s0;
	s5 =	sadd.s32 $0x280, s0;
	(pc) =	sbr.rel @p0 .LBB2_30-.Ltmp14, $4  }
0x330: {  	[tilespmem:s1], [sflag:$0x2] =	stream.indirect.gather [spmem:s2], $0x1, s5, s28, $0xb8;
	[tilespmem:$0x1D000] =	vst v63  }
0x331: {  	s6 =	sadd.s32 $0x380, s0;
	s1 =	sadd.s32 $0x6B00, s0;
	s5 =	sadd.s32 $0x300, s0  }
0x332: {  	[tilespmem:s1], [sflag:$0x2] =	stream.indirect.gather [spmem:s2], $0x1, s5, s28, $0xb8;
	[tilespmem:$0x1D000] =	vst v63  }
0x333: {  	s5 =	sadd.s32 $0x6B80, s0;
	s0 =	smov.u32 s7;
	s1 =	smov.u32 s8  }
0x334: {  	[tilespmem:s5], [sflag:$0x2] =	stream.indirect.gather [spmem:s2], $0x1, s6, s28, $0xb8;
	[tilespmem:$0x1D000] =	vst v63  }
0x335: {  	s1 =	sadd.s32 $0x6800, s0  }
0x336: {  	[tilespmem:s1], [sflag:$0x2] =	stream.indirect.gather [spmem:s2], $0x1, s0, s28, $0xb8;
	[tilespmem:$0x1D000] =	vst v63  }
0x337: {  	s9 =	sadd.s32 $0x6880, s0;
	s16 =	sadd.s32 $0x80, s0  }
0x338: {  	[tilespmem:s9], [sflag:$0x2] =	stream.indirect.gather [spmem:s2], $0x1, s16, s28, $0xb8;
	[tilespmem:$0x1D000] =	vst v63  }
0x339: {  	s23 =	sadd.s32 $0x6900, s0;
	s24 =	sadd.s32 $0x100, s0  }
0x33a: {  	[tilespmem:s23], [sflag:$0x2] =	stream.indirect.gather [spmem:s2], $0x1, s24, s28, $0xb8;
	[tilespmem:$0x1D000] =	vst v63  }
0x33b: {  	s5 =	sadd.s32 $0x6980, s0;
	s6 =	sadd.s32 $0x180, s0  }
0x33c: {  	[tilespmem:s5], [sflag:$0x2] =	stream.indirect.gather [spmem:s2], $0x1, s6, s28, $0xb8;
	[tilespmem:$0x1D000] =	vst v63  }
0x33d: {  	s7 =	sadd.s32 $0x6A00, s0;
	s8 =	sadd.s32 $0x200, s0  }
0x33e: {  	[tilespmem:s7], [sflag:$0x2] =	stream.indirect.gather [spmem:s2], $0x1, s8, s28, $0xb8;
	[tilespmem:$0x1D000] =	vst v63  }
0x33f: {  	s9 =	sadd.s32 $0x6A80, s0;
	s16 =	sadd.s32 $0x280, s0  }
0x340: {  	[tilespmem:s9], [sflag:$0x2] =	stream.indirect.gather [spmem:s2], $0x1, s16, s28, $0xb8;
	[tilespmem:$0x1D000] =	vst v63  }
0x341: {  	s23 =	sadd.s32 $0x6B00, s0;
	s24 =	sadd.s32 $0x300, s0  }
0x342: {  	[tilespmem:s23], [sflag:$0x2] =	stream.indirect.gather [spmem:s2], $0x1, s24, s28, $0xb8;
	[tilespmem:$0x1D000] =	vst v63  }
0x343: {  	s6 =	sadd.s32 $0x6B80, s0;
	s7 =	sadd.s32 $0x380, s0  }
0x344: {  	[tilespmem:s6], [sflag:$0x2] =	stream.indirect.gather [spmem:s2], $0x1, s7, s28, $0xb8;
	[tilespmem:$0x1D000] =	vst v63  }
0x345: {  	_ =	swait.ge [sflag:s29], $0x6800  }
0x346: {  	[sflag:s29] =	ssyncset.done $0x0  }
0x347: {  	s8 =	simm.s32 $0x6800;
	[sflag:s29] =	ssyncadd.s32 $0xFFFF9800  }
0x348: {  	[hbm4b:s22+s3] =	stream.linear.scatter [tilespmem:s8], [sflag:$0x3], $0x80, $0x38;
	[tilespmem:$0x1D000] =	vst v63  }
0x349: {  	s9 =	sadd.s32 $0x40, s22;
	s16 =	simm.s32 $0x6880  }
0x34a: {  	[hbm4b:s9+s3] =	stream.linear.scatter [tilespmem:s16], [sflag:$0x3], $0x80, $0x38;
	[tilespmem:$0x1D000] =	vst v63  }
0x34b: {  	s1 =	sadd.s32 $0x8000, s22;
	s23 =	sadd.s32 $0x80, s22;
	s24 =	simm.s32 $0x6900  }
0x34c: {  	[hbm4b:s23+s3] =	stream.linear.scatter [tilespmem:s24], [sflag:$0x3], $0x80, $0x38;
	[tilespmem:$0x1D000] =	vst v63  }
0x34d: {  	s5 =	sadd.s32 $0xC0, s22;
	s0 =	simm.s32 $0x400;
	s6 =	simm.s32 $0x6980  }
0x34e: {  	[hbm4b:s5+s3] =	stream.linear.scatter [tilespmem:s6], [sflag:$0x3], $0x80, $0x38;
	[tilespmem:$0x1D000] =	vst v63  }
0x34f: {  	s7 =	sadd.s32 $0x100, s22;
	s8 =	simm.s32 $0x6A00;
	s9 =	sadd.s32 $0x140, s22  }
0x350: {  	[hbm4b:s7+s3] =	stream.linear.scatter [tilespmem:s8], [sflag:$0x3], $0x80, $0x38;
	[tilespmem:$0x1D000] =	vst v63  }
0x351: {  	s16 =	simm.s32 $0x6A80;
	s23 =	sadd.s32 $0x180, s22;
	s24 =	simm.s32 $0x6B00  }
0x352: {  	[hbm4b:s9+s3] =	stream.linear.scatter [tilespmem:s16], [sflag:$0x3], $0x80, $0x38;
	[tilespmem:$0x1D000] =	vst v63  }
0x353: {  	s5 =	simm.s32 $0x2000;
	s6 =	sadd.s32 $0x1C0, s22;
	s16 =	simm.s32 $0x6B80  }
0x354: {  	[hbm4b:s23+s3] =	stream.linear.scatter [tilespmem:s24], [sflag:$0x3], $0x80, $0x38;
	[tilespmem:$0x1D000] =	vst v63  }
.LBB2_32:
0x355: {  	[hbm4b:s6+s3] =	stream.linear.scatter [tilespmem:s16], [sflag:$0x3], $0x80, $0x38;
	[tilespmem:$0x1D000] =	vst v63  }
0x356: {  	s7 =	smov.u32 s0;
	s0 =	smov.u32 s5  }
0x357: {  	s8 =	sadd.s32 $0x1000, s5;
	s0 =	sshra.s32 s0, $0x2;
	s6 =	sadd.s32 $0x6800, s7  }
0x358: {  	[hbm4b:s1+s3] =	stream.linear.scatter [tilespmem:s6], [sflag:$0x3], $0x80, $0x38;
	[tilespmem:$0x1D000] =	vst v63  }
0x359: {  	p0 =	sne.s32 s5, $0x19000;
	s5 =	sadd.s32 $0x40, s1;
	s6 =	sadd.s32 $0x6880, s7  }
0x35a: {  	[hbm4b:s5+s3] =	stream.linear.scatter [tilespmem:s6], [sflag:$0x3], $0x80, $0x38;
	[tilespmem:$0x1D000] =	vst v63  }
0x35b: {  	s5 =	sadd.s32 $0x80, s1;
	s6 =	sadd.s32 $0x6900, s7  }
0x35c: {  	[hbm4b:s5+s3] =	stream.linear.scatter [tilespmem:s6], [sflag:$0x3], $0x80, $0x38;
	[tilespmem:$0x1D000] =	vst v63  }
0x35d: {  	s5 =	sadd.s32 $0xC0, s1;
	s6 =	sadd.s32 $0x6980, s7  }
0x35e: {  	[hbm4b:s5+s3] =	stream.linear.scatter [tilespmem:s6], [sflag:$0x3], $0x80, $0x38;
	[tilespmem:$0x1D000] =	vst v63  }
0x35f: {  	s5 =	sadd.s32 $0x100, s1;
	s6 =	sadd.s32 $0x6A00, s7  }
0x360: {  	[hbm4b:s5+s3] =	stream.linear.scatter [tilespmem:s6], [sflag:$0x3], $0x80, $0x38;
	[tilespmem:$0x1D000] =	vst v63  }
.Ltmp15:
0x361: {  	s5 =	sadd.s32 $0x140, s1;
	s6 =	sadd.s32 $0x6A80, s7;
	(pc) =	sbr.rel @p0 .LBB2_32-.Ltmp15, $4  }
0x362: {  	[hbm4b:s5+s3] =	stream.linear.scatter [tilespmem:s6], [sflag:$0x3], $0x80, $0x38;
	[tilespmem:$0x1D000] =	vst v63  }
0x363: {  	s16 =	sadd.s32 $0x6B80, s7;
	s5 =	sadd.s32 $0x180, s1;
	s6 =	sadd.s32 $0x6B00, s7  }
0x364: {  	[hbm4b:s5+s3] =	stream.linear.scatter [tilespmem:s6], [sflag:$0x3], $0x80, $0x38;
	[tilespmem:$0x1D000] =	vst v63  }
0x365: {  	s6 =	sadd.s32 $0x1C0, s1;
	s1 =	sadd.s32 $0x8000, s1;
	s5 =	smov.u32 s8  }
0x366: {  	[hbm4b:s6+s3] =	stream.linear.scatter [tilespmem:s16], [sflag:$0x3], $0x80, $0x38;
	[tilespmem:$0x1D000] =	vst v63  }
0x367: {  	s5 =	sadd.s32 $0x6800, s0  }
0x368: {  	[hbm4b:s1+s3] =	stream.linear.scatter [tilespmem:s5], [sflag:$0x3], $0x80, $0x38;
	[tilespmem:$0x1D000] =	vst v63  }
0x369: {  	s23 =	sadd.s32 $0x40, s1;
	s24 =	sadd.s32 $0x6880, s0  }
0x36a: {  	[hbm4b:s23+s3] =	stream.linear.scatter [tilespmem:s24], [sflag:$0x3], $0x80, $0x38;
	[tilespmem:$0x1D000] =	vst v63  }
0x36b: {  	s7 =	sadd.s32 $0x80, s1;
	s8 =	sadd.s32 $0x6900, s0  }
0x36c: {  	[hbm4b:s7+s3] =	stream.linear.scatter [tilespmem:s8], [sflag:$0x3], $0x80, $0x38;
	[tilespmem:$0x1D000] =	vst v63  }
0x36d: {  	s9 =	sadd.s32 $0xC0, s1;
	s16 =	sadd.s32 $0x6980, s0  }
0x36e: {  	[hbm4b:s9+s3] =	stream.linear.scatter [tilespmem:s16], [sflag:$0x3], $0x80, $0x38;
	[tilespmem:$0x1D000] =	vst v63  }
0x36f: {  	s23 =	sadd.s32 $0x100, s1;
	s24 =	sadd.s32 $0x6A00, s0  }
0x370: {  	[hbm4b:s23+s3] =	stream.linear.scatter [tilespmem:s24], [sflag:$0x3], $0x80, $0x38;
	[tilespmem:$0x1D000] =	vst v63  }
0x371: {  	s7 =	sadd.s32 $0x140, s1;
	s8 =	sadd.s32 $0x6A80, s0  }
0x372: {  	[hbm4b:s7+s3] =	stream.linear.scatter [tilespmem:s8], [sflag:$0x3], $0x80, $0x38;
	[tilespmem:$0x1D000] =	vst v63  }
0x373: {  	s31 =	sadd.s32 $0x1, s31;
	s9 =	sadd.s32 $0x180, s1;
	s16 =	sadd.s32 $0x6B00, s0  }
0x374: {  	[hbm4b:s9+s3] =	stream.linear.scatter [tilespmem:s16], [sflag:$0x3], $0x80, $0x38;
	[tilespmem:$0x1D000] =	vst v63  }
0x375: {  	p0 =	sne.s32 s31, s14;
	s23 =	sadd.s32 $0x1C0, s1;
	s24 =	sadd.s32 $0x6B80, s0  }
0x376: {  	[hbm4b:s23+s3] =	stream.linear.scatter [tilespmem:s24], [sflag:$0x3], $0x80, $0x38;
	[tilespmem:$0x1D000] =	vst v63  }
.Ltmp16:
0x377: {  	_ = 	snop;
	(pc) =	sbr.rel @p0 .LBB2_1-.Ltmp16, $4  }
0x378: {  	[bflag:$0x0] =	sbarrier.arrive $0xFFFF  }
0x379: {  	_ =	swait.ge [sflag:s30], $0x6800  }
0x37a: {  	[sflag:s30] =	ssyncset.done $0x0  }
0x37b: {  	[sflag:s30] =	ssyncadd.s32 $0xFFFF9800  }
0x37c: {  	_ =	sfence.sel $0x180000  }
0x37d: {  	[bflag:$0x0] =	sbarrier.arrive $0xFFFF  }
0x37e: {  	_ =	strace $0x90000047  }
0x37f: {  	s0 =	stileid.u32;
	[bflag:$0x2] =	sbarrier.arrive $0xFFFF  }
0x380: {  	p0 =	sne.s32 s0, $0x0;
	s0 =	rddreg [dreg:$0x3]  }
0x381: {  	s0 =	sadd.s32 @!p0 $0x100000, s0  }
0x382: {  	[sflag:s0] =	ssyncadd.tile.s32 @!p0 $0x1;
	_ =	shalt  }
.Lfunc_end2:
_tile_overlayer_lowered:
.L_overlay_start_2:
0x383: {  	(tag) =	ssettag $0x2  }
0x384: {  	s0 =	rddreg [dreg:$0x0];
	s2 =	stileid.u32  }
0x385: {  	s1 =	rddreg [dreg:$0x1];
	p0 =	sne.s32 s2, $0x0  }
0x386: {  	s3 =	rddreg [dreg:$0x2];
	[bflag:$0x3] =	sbarrier.arrive $0xFFFF;
	s2 =	simm.s32 @!p0 $0x1C04  }
0x387: {  	[timem:s3], [sflag:s2] =	dma.local @!p0 [hbm:s0], s1  }
0x388: {  	s0 =	simm.s32 @!p0 $0x4  }
0x389: {  	_ =	swait.ge @!p0 [sflag:s0], s1  }
0x38a: {  	s1 =	ssub.s32 @!p0 $0x0, s1;
	[sflag:s0] =	ssyncset.done @!p0 $0x0  }
0x38b: {  	[sflag:s0] =	ssyncadd.s32 @!p0 s1  }
0x38c: {  	[bflag:$0x3] =	sbarrier.arrive $0xFFFF  }
0x38d: {  	_ =	shalt  }

</sc_bundles>
